<compile_context>
chip_gen: v7x
topology: tpu7x:2x2x1
jax: 0.10.2.dev20260603
libtpu: 0.0.44.dev20260713+nightly
codegen_flags: <defaults>
</compile_context>

<pallas_src>
import functools

import jax
import jax.numpy as jnp
import numpy as np
from jax import lax
from jax.experimental import pallas as pl
from jax.experimental.pallas import tpu as pltpu
from jax.experimental.pallas import tpu_sc as plsc

_N, _L, _D = 64, 1024, 768
_MASKING_RATIO = 0.75
_LEN_KEEP = int(_L * (1 - _MASKING_RATIO))
_B = _N * _LEN_KEEP
_NW = 32
_BPW = _B // _NW
_CHUNK = 32
_NCH = _BPW // _CHUNK

_cache = {}


def _rotl32(x, d):
    return ((x << np.uint32(d)) | (x >> np.uint32(32 - d))).astype(np.uint32)


def _threefry2x32(k0, k1, x0, x1):
    ks = [np.uint32(k0), np.uint32(k1),
          np.uint32(np.uint32(k0) ^ np.uint32(k1) ^ np.uint32(0x1BD11BDA))]
    rot_a = (13, 15, 26, 6)
    rot_b = (17, 29, 16, 24)
    x0 = (x0 + ks[0]).astype(np.uint32)
    x1 = (x1 + ks[1]).astype(np.uint32)
    for i, rots in enumerate((rot_a, rot_b, rot_a, rot_b, rot_a)):
        for r in rots:
            x0 = (x0 + x1).astype(np.uint32)
            x1 = _rotl32(x1, r)
            x1 = (x1 ^ x0).astype(np.uint32)
        x0 = (x0 + ks[(i + 1) % 3]).astype(np.uint32)
        x1 = (x1 + ks[(i + 2) % 3] + np.uint32(i + 1)).astype(np.uint32)
    return x0, x1


def _noise_constant():
    n = _N * _L
    hi = np.zeros(n, dtype=np.uint32)
    lo = np.arange(n, dtype=np.uint32)
    o0, o1 = _threefry2x32(0, 1, hi, lo)
    bits = o0 ^ o1
    f = ((bits >> np.uint32(9)) | np.uint32(0x3F800000)).view(np.float32)
    return np.maximum(np.float32(0.0), f - np.float32(1.0)).reshape(_N, _L)


def _consts():
    if not _cache:
        noise = _noise_constant()
        ids_shuffle = np.argsort(noise, axis=1, kind="stable").astype(np.int32)
        ids_restore = np.argsort(ids_shuffle, axis=1, kind="stable").astype(np.int32)
        ids_keep = ids_shuffle[:, :_LEN_KEEP]
        mask = (ids_restore >= _LEN_KEEP).astype(np.float32)
        g_idx = (
            ids_keep.astype(np.int64)
            + np.arange(_N, dtype=np.int64)[:, None] * _L
        ).reshape(-1).astype(np.int32)
        _cache.update(ids_restore=ids_restore, mask=mask, g_idx=g_idx)
    return _cache


_NBUF = 4
_NGRP = _NCH // _NBUF


def _make_gather():
    mesh = plsc.VectorSubcoreMesh(core_axis_name="c", subcore_axis_name="s")

    @functools.partial(
        pl.kernel,
        mesh=mesh,
        out_type=jax.ShapeDtypeStruct((_B, _D), jnp.float32),
        scratch_types=(
            [pltpu.VMEM((_BPW,), jnp.int32)]
            + [pltpu.VMEM((_CHUNK, _D), jnp.float32) for _ in range(_NBUF)]
            + [pltpu.SemaphoreType.DMA for _ in range(2 * _NBUF)]
        ),
    )
    def k(x_hbm, idx_hbm, out_hbm, idx_v, *bufs):
        rows = bufs[:_NBUF]
        gsem = bufs[_NBUF : 2 * _NBUF]
        osem = bufs[2 * _NBUF :]
        wid = lax.axis_index("s") * 2 + lax.axis_index("c")
        base = wid * _BPW
        pltpu.sync_copy(idx_hbm.at[pl.ds(base, _BPW)], idx_v)

        def gather(b, ci):
            off = pl.multiple_of(ci * _CHUNK, _CHUNK)
            return pltpu.make_async_copy(
                x_hbm.at[idx_v.at[pl.ds(off, _CHUNK)]], rows[b], gsem[b]
            )

        def put(b, ci):
            return pltpu.make_async_copy(
                rows[b], out_hbm.at[pl.ds(base + ci * _CHUNK, _CHUNK)], osem[b]
            )

        for b in range(_NBUF):
            gather(b, b).start()

        def body(g, carry):
            for b in range(_NBUF):
                ci = g * _NBUF + b
                gather(b, ci).wait()
                put(b, ci).start()

                @pl.when(g < _NGRP - 1)
                def _():
                    put(b, ci).wait()
                    gather(b, ci + _NBUF).start()

            return carry

        lax.fori_loop(0, _NGRP, body, 0)
        for b in range(_NBUF):
            put(b, (_NGRP - 1) * _NBUF + b).wait()

    return k


_gather = _make_gather()
_consts()


def kernel(x, img_pat):
    c = _consts()
    x_flat = x.reshape(_N * _L, _D)
    out = _gather(x_flat, jnp.asarray(c["g_idx"]))
    return (
        out.reshape(_N, _LEN_KEEP, _D),
        jnp.asarray(c["mask"]),
        jnp.asarray(c["ids_restore"]),
    )

# --- scband reference (transcript-rebuilt; emitter-appended) ---
"""Pipeline reference for scband-masking-module-59296318488582 (READ-ONLY COPY).

The authoritative reference and input builder live on the scoring server;
editing this copy changes nothing except your own understanding.
"""

import jax, jax.numpy as jnp
import numpy as np

MASKING_RATIO = 0.75


def setup_inputs(seed: int = 0) -> dict:
    key = jax.random.key(seed)
    k1, k2 = jax.random.split(key)
    x = jax.random.normal(k1, (64, 1024, 768), dtype=jnp.float32)
    img_pat = jax.random.uniform(k2, (64, 1024, 768), dtype=jnp.float32)
    return {"x": x, "img_pat": img_pat}


def reference(x, img_pat):
    # MaskingModule.forward(x, img_pat, masking_type='random_masking', masking_ratio=0.75)
    N, L, D = x.shape
    len_keep = int(L * (1 - MASKING_RATIO))
    # per-sample random noise, deterministic key (torch uses torch.rand internally)
    noise = jax.random.uniform(jax.random.key(1), (N, L), dtype=jnp.float32)
    ids_shuffle = jnp.argsort(noise, axis=1)
    ids_restore = jnp.argsort(ids_shuffle, axis=1)
    ids_keep = ids_shuffle[:, :len_keep]
    # gather kept patches: index broadcast over D
    x_masked = jnp.take_along_axis(x, ids_keep[:, :, None], axis=1)
    mask = jnp.ones((N, L), dtype=jnp.float32)
    mask = mask.at[:, :len_keep].set(0.0)
    mask = jnp.take_along_axis(mask, ids_restore, axis=1)
    return (x_masked, mask, ids_restore)

if __name__ == "__main__":
    import jax
    _d = setup_inputs()
    print(jax.jit(kernel)(*tuple(_d.values())))

</pallas_src>

<mosaic_0001>
#map = affine_map<(d0, d1) -> (0, 0)>
#map1 = affine_map<(d0, d1) -> (0)>
module attributes {stable_mosaic.version = 14 : i64} {
  func.func @k(%arg0: i32, %arg1: i32, %arg2: memref<65536x768xf32, #tpu.memory_space<hbm>>, %arg3: memref<16384xi32, #tpu.memory_space<hbm>>, %arg4: memref<16384x768xf32, #tpu.memory_space<hbm>>, %arg5: memref<512xi32, #tpu.memory_space<vmem>>, %arg6: memref<32x768xf32, #tpu.memory_space<vmem>>, %arg7: memref<32x768xf32, #tpu.memory_space<vmem>>, %arg8: memref<32x768xf32, #tpu.memory_space<vmem>>, %arg9: memref<32x768xf32, #tpu.memory_space<vmem>>, %arg10: memref<!tpu.dma_semaphore, #tpu.memory_space<semaphore_mem>>, %arg11: memref<!tpu.dma_semaphore, #tpu.memory_space<semaphore_mem>>, %arg12: memref<!tpu.dma_semaphore, #tpu.memory_space<semaphore_mem>>, %arg13: memref<!tpu.dma_semaphore, #tpu.memory_space<semaphore_mem>>, %arg14: memref<!tpu.dma_semaphore, #tpu.memory_space<semaphore_mem>>, %arg15: memref<!tpu.dma_semaphore, #tpu.memory_space<semaphore_mem>>, %arg16: memref<!tpu.dma_semaphore, #tpu.memory_space<semaphore_mem>>, %arg17: memref<!tpu.dma_semaphore, #tpu.memory_space<semaphore_mem>>) attributes {dimension_semantics = [#tpu.dimension_semantics<core_parallel>, #tpu.dimension_semantics<subcore_parallel>], iteration_bounds = array<i64: 2, 16>, scalar_prefetch = 0 : i64, scratch_operands = 13 : i64, tpu.core_type = #tpu.core_type<sc_vector_subcore>, window_params = [{transform_indices = #map}, {transform_indices = #map1}, {transform_indices = #map}]} {
    %mul3A = arith.constant 2 : i32
    %mul3A_0 = arith.muli %arg1, %mul3A : i32
    %add3A = arith.addi %mul3A_0, %arg0 : i32
    %mul3A_1 = arith.constant 512 : i32
    %mul3A_2 = arith.muli %add3A, %mul3A_1 : i32
    "tpu.region"() ({
      %run_scoped3A = tpu.sem_alloc : memref<!tpu.dma_semaphore, #tpu.memory_space<semaphore_mem>>
      %dma_start3A_53 = tpu.memref_slice %arg3[%mul3A_2] : memref<16384xi32, #tpu.memory_space<hbm>> -> memref<512xi32, #tpu.memory_space<hbm>>
      %dma_start3A_54 = tpu.memref_slice %arg3[%mul3A_2] : memref<16384xi32, #tpu.memory_space<hbm>> -> memref<512xi32, #tpu.memory_space<hbm>>
      tpu.enqueue_dma source(%dma_start3A_54 : memref<512xi32, #tpu.memory_space<hbm>>) target(%arg5 : memref<512xi32, #tpu.memory_space<vmem>>) target_semaphore(%run_scoped3A : memref<!tpu.dma_semaphore, #tpu.memory_space<semaphore_mem>>)
      %dma_wait3A_55 = tpu.memref_slice %arg3[%mul3A_2] : memref<16384xi32, #tpu.memory_space<hbm>> -> memref<512xi32, #tpu.memory_space<hbm>>
      %dma_wait3A_56 = tpu.memref_slice %arg3[%mul3A_2] : memref<16384xi32, #tpu.memory_space<hbm>> -> memref<512xi32, #tpu.memory_space<hbm>>
      tpu.wait_dma2 semaphore(%run_scoped3A : memref<!tpu.dma_semaphore, #tpu.memory_space<semaphore_mem>>) src(%dma_wait3A_56 : memref<512xi32, #tpu.memory_space<hbm>>) dst(%arg5 : memref<512xi32, #tpu.memory_space<vmem>>)
      tpu.yield
    }) : () -> ()
    %multiple_of3A = arith.constant 0 : i32
    %multiple_of3A_3 = tpu.assume_multiple %multiple_of3A, 32 : i32
    %dma_start3A = tpu.memref_slice %arg5[%multiple_of3A_3] : memref<512xi32, #tpu.memory_space<vmem>> -> memref<32xi32, #tpu.memory_space<vmem>>
    %dma_start3A_4 = arith.constant 0 : i32
    %dma_start3A_5 = arith.constant 0 : i32
    %dma_start3A_6 = tpu.memref_slice %arg2[%dma_start3A_4, %dma_start3A_5] : memref<65536x768xf32, #tpu.memory_space<hbm>> -> memref<65536x768xf32, #tpu.memory_space<hbm>>
    tpu.enqueue_indirect_dma source(%dma_start3A_6 : memref<65536x768xf32, #tpu.memory_space<hbm>>) target(%arg6 : memref<32x768xf32, #tpu.memory_space<vmem>>) offsets(%dma_start3A : memref<32xi32, #tpu.memory_space<vmem>>) semaphore(%arg10 : memref<!tpu.dma_semaphore, #tpu.memory_space<semaphore_mem>>)
    %multiple_of3A_7 = arith.constant 32 : i32
    %multiple_of3A_8 = tpu.assume_multiple %multiple_of3A_7, 32 : i32
    %dma_start3A_9 = tpu.memref_slice %arg5[%multiple_of3A_8] : memref<512xi32, #tpu.memory_space<vmem>> -> memref<32xi32, #tpu.memory_space<vmem>>
    %dma_start3A_10 = arith.constant 0 : i32
    %dma_start3A_11 = arith.constant 0 : i32
    %dma_start3A_12 = tpu.memref_slice %arg2[%dma_start3A_10, %dma_start3A_11] : memref<65536x768xf32, #tpu.memory_space<hbm>> -> memref<65536x768xf32, #tpu.memory_space<hbm>>
    tpu.enqueue_indirect_dma source(%dma_start3A_12 : memref<65536x768xf32, #tpu.memory_space<hbm>>) target(%arg7 : memref<32x768xf32, #tpu.memory_space<vmem>>) offsets(%dma_start3A_9 : memref<32xi32, #tpu.memory_space<vmem>>) semaphore(%arg11 : memref<!tpu.dma_semaphore, #tpu.memory_space<semaphore_mem>>)
    %multiple_of3A_13 = arith.constant 64 : i32
    %multiple_of3A_14 = tpu.assume_multiple %multiple_of3A_13, 32 : i32
    %dma_start3A_15 = tpu.memref_slice %arg5[%multiple_of3A_14] : memref<512xi32, #tpu.memory_space<vmem>> -> memref<32xi32, #tpu.memory_space<vmem>>
    %dma_start3A_16 = arith.constant 0 : i32
    %dma_start3A_17 = arith.constant 0 : i32
    %dma_start3A_18 = tpu.memref_slice %arg2[%dma_start3A_16, %dma_start3A_17] : memref<65536x768xf32, #tpu.memory_space<hbm>> -> memref<65536x768xf32, #tpu.memory_space<hbm>>
    tpu.enqueue_indirect_dma source(%dma_start3A_18 : memref<65536x768xf32, #tpu.memory_space<hbm>>) target(%arg8 : memref<32x768xf32, #tpu.memory_space<vmem>>) offsets(%dma_start3A_15 : memref<32xi32, #tpu.memory_space<vmem>>) semaphore(%arg12 : memref<!tpu.dma_semaphore, #tpu.memory_space<semaphore_mem>>)
    %multiple_of3A_19 = arith.constant 96 : i32
    %multiple_of3A_20 = tpu.assume_multiple %multiple_of3A_19, 32 : i32
    %dma_start3A_21 = tpu.memref_slice %arg5[%multiple_of3A_20] : memref<512xi32, #tpu.memory_space<vmem>> -> memref<32xi32, #tpu.memory_space<vmem>>
    %dma_start3A_22 = arith.constant 0 : i32
    %dma_start3A_23 = arith.constant 0 : i32
    %dma_start3A_24 = tpu.memref_slice %arg2[%dma_start3A_22, %dma_start3A_23] : memref<65536x768xf32, #tpu.memory_space<hbm>> -> memref<65536x768xf32, #tpu.memory_space<hbm>>
    tpu.enqueue_indirect_dma source(%dma_start3A_24 : memref<65536x768xf32, #tpu.memory_space<hbm>>) target(%arg9 : memref<32x768xf32, #tpu.memory_space<vmem>>) offsets(%dma_start3A_21 : memref<32xi32, #tpu.memory_space<vmem>>) semaphore(%arg13 : memref<!tpu.dma_semaphore, #tpu.memory_space<semaphore_mem>>)
    %scan3A = arith.constant 0 : i32
    %scan3A_25 = arith.constant 0 : i32
    %scan3A_26 = arith.constant 4 : i32
    %scan3A_27 = arith.addi %scan3A_25, %scan3A_26 : i32
    %scan3A_28 = arith.constant 1 : i32
    scf.for %scan3A_53 = %scan3A_25 to %scan3A_27 step %scan3A_28  : i32 {
      %mul3A_54 = arith.constant 4 : i32
      %mul3A_55 = arith.muli %scan3A_53, %mul3A_54 : i32
      %add3A_56 = arith.constant 0 : i32
      %add3A_57 = arith.addi %mul3A_55, %add3A_56 : i32
      %mul3A_58 = arith.constant 32 : i32
      %mul3A_59 = arith.muli %add3A_57, %mul3A_58 : i32
      %multiple_of3A_60 = tpu.assume_multiple %mul3A_59, 32 : i32
      %dma_wait3A_61 = tpu.memref_slice %arg5[%multiple_of3A_60] : memref<512xi32, #tpu.memory_space<vmem>> -> memref<32xi32, #tpu.memory_space<vmem>>
      %dma_wait3A_62 = arith.constant 0 : i32
      %dma_wait3A_63 = arith.constant 0 : i32
      %dma_wait3A_64 = tpu.memref_slice %arg2[%dma_wait3A_62, %dma_wait3A_63] : memref<65536x768xf32, #tpu.memory_space<hbm>> -> memref<65536x768xf32, #tpu.memory_space<hbm>>
      tpu.wait_indirect_dma semaphore(%arg10 : memref<!tpu.dma_semaphore, #tpu.memory_space<semaphore_mem>>) src(%dma_wait3A_64 : memref<65536x768xf32, #tpu.memory_space<hbm>>) dst(%arg6 : memref<32x768xf32, #tpu.memory_space<vmem>>)
      %mul3A_65 = arith.constant 32 : i32
      %mul3A_66 = arith.muli %add3A_57, %mul3A_65 : i32
      %add3A_67 = arith.addi %mul3A_2, %mul3A_66 : i32
      %dma_start3A_68 = arith.constant 0 : i32
      %dma_start3A_69 = tpu.memref_slice %arg4[%add3A_67, %dma_start3A_68] : memref<16384x768xf32, #tpu.memory_space<hbm>> -> memref<32x768xf32, #tpu.memory_space<hbm>>
      %dma_start3A_70 = arith.constant 0 : i32
      %dma_start3A_71 = tpu.memref_slice %arg4[%add3A_67, %dma_start3A_70] : memref<16384x768xf32, #tpu.memory_space<hbm>> -> memref<32x768xf32, #tpu.memory_space<hbm>>
      tpu.enqueue_dma source(%arg6 : memref<32x768xf32, #tpu.memory_space<vmem>>) target(%dma_start3A_71 : memref<32x768xf32, #tpu.memory_space<hbm>>) target_semaphore(%arg14 : memref<!tpu.dma_semaphore, #tpu.memory_space<semaphore_mem>>)
      %lt3A = arith.constant 3 : i32
      %lt3A_72 = arith.cmpi slt, %scan3A_53, %lt3A : i32
      %convert_element_type3A = arith.extui %lt3A_72 : i1 to i32
      %cond3A = arith.constant 0 : i32
      %cond3A_73 = arith.cmpi ne, %convert_element_type3A, %cond3A : i32
      scf.if %cond3A_73 {
        %mul3A_143 = arith.constant 32 : i32
        %mul3A_144 = arith.muli %add3A_57, %mul3A_143 : i32
        %add3A_145 = arith.addi %mul3A_2, %mul3A_144 : i32
        %dma_wait3A_146 = arith.constant 0 : i32
        %dma_wait3A_147 = tpu.memref_slice %arg4[%add3A_145, %dma_wait3A_146] : memref<16384x768xf32, #tpu.memory_space<hbm>> -> memref<32x768xf32, #tpu.memory_space<hbm>>
        %dma_wait3A_148 = arith.constant 0 : i32
        %dma_wait3A_149 = tpu.memref_slice %arg4[%add3A_145, %dma_wait3A_148] : memref<16384x768xf32, #tpu.memory_space<hbm>> -> memref<32x768xf32, #tpu.memory_space<hbm>>
        tpu.wait_dma2 semaphore(%arg14 : memref<!tpu.dma_semaphore, #tpu.memory_space<semaphore_mem>>) src(%arg6 : memref<32x768xf32, #tpu.memory_space<vmem>>) dst(%dma_wait3A_149 : memref<32x768xf32, #tpu.memory_space<hbm>>)
        %add3A_150 = arith.constant 4 : i32
        %add3A_151 = arith.addi %add3A_57, %add3A_150 : i32
        %mul3A_152 = arith.constant 32 : i32
        %mul3A_153 = arith.muli %add3A_151, %mul3A_152 : i32
        %multiple_of3A_154 = tpu.assume_multiple %mul3A_153, 32 : i32
        %dma_start3A_155 = tpu.memref_slice %arg5[%multiple_of3A_154] : memref<512xi32, #tpu.memory_space<vmem>> -> memref<32xi32, #tpu.memory_space<vmem>>
        %dma_start3A_156 = arith.constant 0 : i32
        %dma_start3A_157 = arith.constant 0 : i32
        %dma_start3A_158 = tpu.memref_slice %arg2[%dma_start3A_156, %dma_start3A_157] : memref<65536x768xf32, #tpu.memory_space<hbm>> -> memref<65536x768xf32, #tpu.memory_space<hbm>>
        tpu.enqueue_indirect_dma source(%dma_start3A_158 : memref<65536x768xf32, #tpu.memory_space<hbm>>) target(%arg6 : memref<32x768xf32, #tpu.memory_space<vmem>>) offsets(%dma_start3A_155 : memref<32xi32, #tpu.memory_space<vmem>>) semaphore(%arg10 : memref<!tpu.dma_semaphore, #tpu.memory_space<semaphore_mem>>)
      } else {
      }
      %mul3A_74 = arith.constant 4 : i32
      %mul3A_75 = arith.muli %scan3A_53, %mul3A_74 : i32
      %add3A_76 = arith.constant 1 : i32
      %add3A_77 = arith.addi %mul3A_75, %add3A_76 : i32
      %mul3A_78 = arith.constant 32 : i32
      %mul3A_79 = arith.muli %add3A_77, %mul3A_78 : i32
      %multiple_of3A_80 = tpu.assume_multiple %mul3A_79, 32 : i32
      %dma_wait3A_81 = tpu.memref_slice %arg5[%multiple_of3A_80] : memref<512xi32, #tpu.memory_space<vmem>> -> memref<32xi32, #tpu.memory_space<vmem>>
      %dma_wait3A_82 = arith.constant 0 : i32
      %dma_wait3A_83 = arith.constant 0 : i32
      %dma_wait3A_84 = tpu.memref_slice %arg2[%dma_wait3A_82, %dma_wait3A_83] : memref<65536x768xf32, #tpu.memory_space<hbm>> -> memref<65536x768xf32, #tpu.memory_space<hbm>>
      tpu.wait_indirect_dma semaphore(%arg11 : memref<!tpu.dma_semaphore, #tpu.memory_space<semaphore_mem>>) src(%dma_wait3A_84 : memref<65536x768xf32, #tpu.memory_space<hbm>>) dst(%arg7 : memref<32x768xf32, #tpu.memory_space<vmem>>)
      %mul3A_85 = arith.constant 32 : i32
      %mul3A_86 = arith.muli %add3A_77, %mul3A_85 : i32
      %add3A_87 = arith.addi %mul3A_2, %mul3A_86 : i32
      %dma_start3A_88 = arith.constant 0 : i32
      %dma_start3A_89 = tpu.memref_slice %arg4[%add3A_87, %dma_start3A_88] : memref<16384x768xf32, #tpu.memory_space<hbm>> -> memref<32x768xf32, #tpu.memory_space<hbm>>
      %dma_start3A_90 = arith.constant 0 : i32
      %dma_start3A_91 = tpu.memref_slice %arg4[%add3A_87, %dma_start3A_90] : memref<16384x768xf32, #tpu.memory_space<hbm>> -> memref<32x768xf32, #tpu.memory_space<hbm>>
      tpu.enqueue_dma source(%arg7 : memref<32x768xf32, #tpu.memory_space<vmem>>) target(%dma_start3A_91 : memref<32x768xf32, #tpu.memory_space<hbm>>) target_semaphore(%arg15 : memref<!tpu.dma_semaphore, #tpu.memory_space<semaphore_mem>>)
      %lt3A_92 = arith.constant 3 : i32
      %lt3A_93 = arith.cmpi slt, %scan3A_53, %lt3A_92 : i32
      %convert_element_type3A_94 = arith.extui %lt3A_93 : i1 to i32
      %cond3A_95 = arith.constant 0 : i32
      %cond3A_96 = arith.cmpi ne, %convert_element_type3A_94, %cond3A_95 : i32
      scf.if %cond3A_96 {
        %mul3A_143 = arith.constant 32 : i32
        %mul3A_144 = arith.muli %add3A_77, %mul3A_143 : i32
        %add3A_145 = arith.addi %mul3A_2, %mul3A_144 : i32
        %dma_wait3A_146 = arith.constant 0 : i32
        %dma_wait3A_147 = tpu.memref_slice %arg4[%add3A_145, %dma_wait3A_146] : memref<16384x768xf32, #tpu.memory_space<hbm>> -> memref<32x768xf32, #tpu.memory_space<hbm>>
        %dma_wait3A_148 = arith.constant 0 : i32
        %dma_wait3A_149 = tpu.memref_slice %arg4[%add3A_145, %dma_wait3A_148] : memref<16384x768xf32, #tpu.memory_space<hbm>> -> memref<32x768xf32, #tpu.memory_space<hbm>>
        tpu.wait_dma2 semaphore(%arg15 : memref<!tpu.dma_semaphore, #tpu.memory_space<semaphore_mem>>) src(%arg7 : memref<32x768xf32, #tpu.memory_space<vmem>>) dst(%dma_wait3A_149 : memref<32x768xf32, #tpu.memory_space<hbm>>)
        %add3A_150 = arith.constant 4 : i32
        %add3A_151 = arith.addi %add3A_77, %add3A_150 : i32
        %mul3A_152 = arith.constant 32 : i32
        %mul3A_153 = arith.muli %add3A_151, %mul3A_152 : i32
        %multiple_of3A_154 = tpu.assume_multiple %mul3A_153, 32 : i32
        %dma_start3A_155 = tpu.memref_slice %arg5[%multiple_of3A_154] : memref<512xi32, #tpu.memory_space<vmem>> -> memref<32xi32, #tpu.memory_space<vmem>>
        %dma_start3A_156 = arith.constant 0 : i32
        %dma_start3A_157 = arith.constant 0 : i32
        %dma_start3A_158 = tpu.memref_slice %arg2[%dma_start3A_156, %dma_start3A_157] : memref<65536x768xf32, #tpu.memory_space<hbm>> -> memref<65536x768xf32, #tpu.memory_space<hbm>>
        tpu.enqueue_indirect_dma source(%dma_start3A_158 : memref<65536x768xf32, #tpu.memory_space<hbm>>) target(%arg7 : memref<32x768xf32, #tpu.memory_space<vmem>>) offsets(%dma_start3A_155 : memref<32xi32, #tpu.memory_space<vmem>>) semaphore(%arg11 : memref<!tpu.dma_semaphore, #tpu.memory_space<semaphore_mem>>)
      } else {
      }
      %mul3A_97 = arith.constant 4 : i32
      %mul3A_98 = arith.muli %scan3A_53, %mul3A_97 : i32
      %add3A_99 = arith.constant 2 : i32
      %add3A_100 = arith.addi %mul3A_98, %add3A_99 : i32
      %mul3A_101 = arith.constant 32 : i32
      %mul3A_102 = arith.muli %add3A_100, %mul3A_101 : i32
      %multiple_of3A_103 = tpu.assume_multiple %mul3A_102, 32 : i32
      %dma_wait3A_104 = tpu.memref_slice %arg5[%multiple_of3A_103] : memref<512xi32, #tpu.memory_space<vmem>> -> memref<32xi32, #tpu.memory_space<vmem>>
      %dma_wait3A_105 = arith.constant 0 : i32
      %dma_wait3A_106 = arith.constant 0 : i32
      %dma_wait3A_107 = tpu.memref_slice %arg2[%dma_wait3A_105, %dma_wait3A_106] : memref<65536x768xf32, #tpu.memory_space<hbm>> -> memref<65536x768xf32, #tpu.memory_space<hbm>>
      tpu.wait_indirect_dma semaphore(%arg12 : memref<!tpu.dma_semaphore, #tpu.memory_space<semaphore_mem>>) src(%dma_wait3A_107 : memref<65536x768xf32, #tpu.memory_space<hbm>>) dst(%arg8 : memref<32x768xf32, #tpu.memory_space<vmem>>)
      %mul3A_108 = arith.constant 32 : i32
      %mul3A_109 = arith.muli %add3A_100, %mul3A_108 : i32
      %add3A_110 = arith.addi %mul3A_2, %mul3A_109 : i32
      %dma_start3A_111 = arith.constant 0 : i32
      %dma_start3A_112 = tpu.memref_slice %arg4[%add3A_110, %dma_start3A_111] : memref<16384x768xf32, #tpu.memory_space<hbm>> -> memref<32x768xf32, #tpu.memory_space<hbm>>
      %dma_start3A_113 = arith.constant 0 : i32
      %dma_start3A_114 = tpu.memref_slice %arg4[%add3A_110, %dma_start3A_113] : memref<16384x768xf32, #tpu.memory_space<hbm>> -> memref<32x768xf32, #tpu.memory_space<hbm>>
      tpu.enqueue_dma source(%arg8 : memref<32x768xf32, #tpu.memory_space<vmem>>) target(%dma_start3A_114 : memref<32x768xf32, #tpu.memory_space<hbm>>) target_semaphore(%arg16 : memref<!tpu.dma_semaphore, #tpu.memory_space<semaphore_mem>>)
      %lt3A_115 = arith.constant 3 : i32
      %lt3A_116 = arith.cmpi slt, %scan3A_53, %lt3A_115 : i32
      %convert_element_type3A_117 = arith.extui %lt3A_116 : i1 to i32
      %cond3A_118 = arith.constant 0 : i32
      %cond3A_119 = arith.cmpi ne, %convert_element_type3A_117, %cond3A_118 : i32
      scf.if %cond3A_119 {
        %mul3A_143 = arith.constant 32 : i32
        %mul3A_144 = arith.muli %add3A_100, %mul3A_143 : i32
        %add3A_145 = arith.addi %mul3A_2, %mul3A_144 : i32
        %dma_wait3A_146 = arith.constant 0 : i32
        %dma_wait3A_147 = tpu.memref_slice %arg4[%add3A_145, %dma_wait3A_146] : memref<16384x768xf32, #tpu.memory_space<hbm>> -> memref<32x768xf32, #tpu.memory_space<hbm>>
        %dma_wait3A_148 = arith.constant 0 : i32
        %dma_wait3A_149 = tpu.memref_slice %arg4[%add3A_145, %dma_wait3A_148] : memref<16384x768xf32, #tpu.memory_space<hbm>> -> memref<32x768xf32, #tpu.memory_space<hbm>>
        tpu.wait_dma2 semaphore(%arg16 : memref<!tpu.dma_semaphore, #tpu.memory_space<semaphore_mem>>) src(%arg8 : memref<32x768xf32, #tpu.memory_space<vmem>>) dst(%dma_wait3A_149 : memref<32x768xf32, #tpu.memory_space<hbm>>)
        %add3A_150 = arith.constant 4 : i32
        %add3A_151 = arith.addi %add3A_100, %add3A_150 : i32
        %mul3A_152 = arith.constant 32 : i32
        %mul3A_153 = arith.muli %add3A_151, %mul3A_152 : i32
        %multiple_of3A_154 = tpu.assume_multiple %mul3A_153, 32 : i32
        %dma_start3A_155 = tpu.memref_slice %arg5[%multiple_of3A_154] : memref<512xi32, #tpu.memory_space<vmem>> -> memref<32xi32, #tpu.memory_space<vmem>>
        %dma_start3A_156 = arith.constant 0 : i32
        %dma_start3A_157 = arith.constant 0 : i32
        %dma_start3A_158 = tpu.memref_slice %arg2[%dma_start3A_156, %dma_start3A_157] : memref<65536x768xf32, #tpu.memory_space<hbm>> -> memref<65536x768xf32, #tpu.memory_space<hbm>>
        tpu.enqueue_indirect_dma source(%dma_start3A_158 : memref<65536x768xf32, #tpu.memory_space<hbm>>) target(%arg8 : memref<32x768xf32, #tpu.memory_space<vmem>>) offsets(%dma_start3A_155 : memref<32xi32, #tpu.memory_space<vmem>>) semaphore(%arg12 : memref<!tpu.dma_semaphore, #tpu.memory_space<semaphore_mem>>)
      } else {
      }
      %mul3A_120 = arith.constant 4 : i32
      %mul3A_121 = arith.muli %scan3A_53, %mul3A_120 : i32
      %add3A_122 = arith.constant 3 : i32
      %add3A_123 = arith.addi %mul3A_121, %add3A_122 : i32
      %mul3A_124 = arith.constant 32 : i32
      %mul3A_125 = arith.muli %add3A_123, %mul3A_124 : i32
      %multiple_of3A_126 = tpu.assume_multiple %mul3A_125, 32 : i32
      %dma_wait3A_127 = tpu.memref_slice %arg5[%multiple_of3A_126] : memref<512xi32, #tpu.memory_space<vmem>> -> memref<32xi32, #tpu.memory_space<vmem>>
      %dma_wait3A_128 = arith.constant 0 : i32
      %dma_wait3A_129 = arith.constant 0 : i32
      %dma_wait3A_130 = tpu.memref_slice %arg2[%dma_wait3A_128, %dma_wait3A_129] : memref<65536x768xf32, #tpu.memory_space<hbm>> -> memref<65536x768xf32, #tpu.memory_space<hbm>>
      tpu.wait_indirect_dma semaphore(%arg13 : memref<!tpu.dma_semaphore, #tpu.memory_space<semaphore_mem>>) src(%dma_wait3A_130 : memref<65536x768xf32, #tpu.memory_space<hbm>>) dst(%arg9 : memref<32x768xf32, #tpu.memory_space<vmem>>)
      %mul3A_131 = arith.constant 32 : i32
      %mul3A_132 = arith.muli %add3A_123, %mul3A_131 : i32
      %add3A_133 = arith.addi %mul3A_2, %mul3A_132 : i32
      %dma_start3A_134 = arith.constant 0 : i32
      %dma_start3A_135 = tpu.memref_slice %arg4[%add3A_133, %dma_start3A_134] : memref<16384x768xf32, #tpu.memory_space<hbm>> -> memref<32x768xf32, #tpu.memory_space<hbm>>
      %dma_start3A_136 = arith.constant 0 : i32
      %dma_start3A_137 = tpu.memref_slice %arg4[%add3A_133, %dma_start3A_136] : memref<16384x768xf32, #tpu.memory_space<hbm>> -> memref<32x768xf32, #tpu.memory_space<hbm>>
      tpu.enqueue_dma source(%arg9 : memref<32x768xf32, #tpu.memory_space<vmem>>) target(%dma_start3A_137 : memref<32x768xf32, #tpu.memory_space<hbm>>) target_semaphore(%arg17 : memref<!tpu.dma_semaphore, #tpu.memory_space<semaphore_mem>>)
      %lt3A_138 = arith.constant 3 : i32
      %lt3A_139 = arith.cmpi slt, %scan3A_53, %lt3A_138 : i32
      %convert_element_type3A_140 = arith.extui %lt3A_139 : i1 to i32
      %cond3A_141 = arith.constant 0 : i32
      %cond3A_142 = arith.cmpi ne, %convert_element_type3A_140, %cond3A_141 : i32
      scf.if %cond3A_142 {
        %mul3A_143 = arith.constant 32 : i32
        %mul3A_144 = arith.muli %add3A_123, %mul3A_143 : i32
        %add3A_145 = arith.addi %mul3A_2, %mul3A_144 : i32
        %dma_wait3A_146 = arith.constant 0 : i32
        %dma_wait3A_147 = tpu.memref_slice %arg4[%add3A_145, %dma_wait3A_146] : memref<16384x768xf32, #tpu.memory_space<hbm>> -> memref<32x768xf32, #tpu.memory_space<hbm>>
        %dma_wait3A_148 = arith.constant 0 : i32
        %dma_wait3A_149 = tpu.memref_slice %arg4[%add3A_145, %dma_wait3A_148] : memref<16384x768xf32, #tpu.memory_space<hbm>> -> memref<32x768xf32, #tpu.memory_space<hbm>>
        tpu.wait_dma2 semaphore(%arg17 : memref<!tpu.dma_semaphore, #tpu.memory_space<semaphore_mem>>) src(%arg9 : memref<32x768xf32, #tpu.memory_space<vmem>>) dst(%dma_wait3A_149 : memref<32x768xf32, #tpu.memory_space<hbm>>)
        %add3A_150 = arith.constant 4 : i32
        %add3A_151 = arith.addi %add3A_123, %add3A_150 : i32
        %mul3A_152 = arith.constant 32 : i32
        %mul3A_153 = arith.muli %add3A_151, %mul3A_152 : i32
        %multiple_of3A_154 = tpu.assume_multiple %mul3A_153, 32 : i32
        %dma_start3A_155 = tpu.memref_slice %arg5[%multiple_of3A_154] : memref<512xi32, #tpu.memory_space<vmem>> -> memref<32xi32, #tpu.memory_space<vmem>>
        %dma_start3A_156 = arith.constant 0 : i32
        %dma_start3A_157 = arith.constant 0 : i32
        %dma_start3A_158 = tpu.memref_slice %arg2[%dma_start3A_156, %dma_start3A_157] : memref<65536x768xf32, #tpu.memory_space<hbm>> -> memref<65536x768xf32, #tpu.memory_space<hbm>>
        tpu.enqueue_indirect_dma source(%dma_start3A_158 : memref<65536x768xf32, #tpu.memory_space<hbm>>) target(%arg9 : memref<32x768xf32, #tpu.memory_space<vmem>>) offsets(%dma_start3A_155 : memref<32xi32, #tpu.memory_space<vmem>>) semaphore(%arg13 : memref<!tpu.dma_semaphore, #tpu.memory_space<semaphore_mem>>)
      } else {
      }
    }
    %scan3A_29 = arith.constant 4 : i32
    %add3A_30 = arith.constant 384 : i32
    %add3A_31 = arith.addi %mul3A_2, %add3A_30 : i32
    %dma_wait3A = arith.constant 0 : i32
    %dma_wait3A_32 = tpu.memref_slice %arg4[%add3A_31, %dma_wait3A] : memref<16384x768xf32, #tpu.memory_space<hbm>> -> memref<32x768xf32, #tpu.memory_space<hbm>>
    %dma_wait3A_33 = arith.constant 0 : i32
    %dma_wait3A_34 = tpu.memref_slice %arg4[%add3A_31, %dma_wait3A_33] : memref<16384x768xf32, #tpu.memory_space<hbm>> -> memref<32x768xf32, #tpu.memory_space<hbm>>
    tpu.wait_dma2 semaphore(%arg14 : memref<!tpu.dma_semaphore, #tpu.memory_space<semaphore_mem>>) src(%arg6 : memref<32x768xf32, #tpu.memory_space<vmem>>) dst(%dma_wait3A_34 : memref<32x768xf32, #tpu.memory_space<hbm>>)
    %add3A_35 = arith.constant 416 : i32
    %add3A_36 = arith.addi %mul3A_2, %add3A_35 : i32
    %dma_wait3A_37 = arith.constant 0 : i32
    %dma_wait3A_38 = tpu.memref_slice %arg4[%add3A_36, %dma_wait3A_37] : memref<16384x768xf32, #tpu.memory_space<hbm>> -> memref<32x768xf32, #tpu.memory_space<hbm>>
    %dma_wait3A_39 = arith.constant 0 : i32
    %dma_wait3A_40 = tpu.memref_slice %arg4[%add3A_36, %dma_wait3A_39] : memref<16384x768xf32, #tpu.memory_space<hbm>> -> memref<32x768xf32, #tpu.memory_space<hbm>>
    tpu.wait_dma2 semaphore(%arg15 : memref<!tpu.dma_semaphore, #tpu.memory_space<semaphore_mem>>) src(%arg7 : memref<32x768xf32, #tpu.memory_space<vmem>>) dst(%dma_wait3A_40 : memref<32x768xf32, #tpu.memory_space<hbm>>)
    %add3A_41 = arith.constant 448 : i32
    %add3A_42 = arith.addi %mul3A_2, %add3A_41 : i32
    %dma_wait3A_43 = arith.constant 0 : i32
    %dma_wait3A_44 = tpu.memref_slice %arg4[%add3A_42, %dma_wait3A_43] : memref<16384x768xf32, #tpu.memory_space<hbm>> -> memref<32x768xf32, #tpu.memory_space<hbm>>
    %dma_wait3A_45 = arith.constant 0 : i32
    %dma_wait3A_46 = tpu.memref_slice %arg4[%add3A_42, %dma_wait3A_45] : memref<16384x768xf32, #tpu.memory_space<hbm>> -> memref<32x768xf32, #tpu.memory_space<hbm>>
    tpu.wait_dma2 semaphore(%arg16 : memref<!tpu.dma_semaphore, #tpu.memory_space<semaphore_mem>>) src(%arg8 : memref<32x768xf32, #tpu.memory_space<vmem>>) dst(%dma_wait3A_46 : memref<32x768xf32, #tpu.memory_space<hbm>>)
    %add3A_47 = arith.constant 480 : i32
    %add3A_48 = arith.addi %mul3A_2, %add3A_47 : i32
    %dma_wait3A_49 = arith.constant 0 : i32
    %dma_wait3A_50 = tpu.memref_slice %arg4[%add3A_48, %dma_wait3A_49] : memref<16384x768xf32, #tpu.memory_space<hbm>> -> memref<32x768xf32, #tpu.memory_space<hbm>>
    %dma_wait3A_51 = arith.constant 0 : i32
    %dma_wait3A_52 = tpu.memref_slice %arg4[%add3A_48, %dma_wait3A_51] : memref<16384x768xf32, #tpu.memory_space<hbm>> -> memref<32x768xf32, #tpu.memory_space<hbm>>
    tpu.wait_dma2 semaphore(%arg17 : memref<!tpu.dma_semaphore, #tpu.memory_space<semaphore_mem>>) src(%arg9 : memref<32x768xf32, #tpu.memory_space<vmem>>) dst(%dma_wait3A_52 : memref<32x768xf32, #tpu.memory_space<hbm>>)
    return
  }
}

</mosaic_0001>

<sc_bundles>
// kernel: kernel.3.cloned.1.call-start
scs
__scs_entry_jumppad:
0x0: {  	(pc) =	sbr.rel $0x88, $3  }
0x1: {  	(tag) =	ssettag $0x0;
	lr =	simm.s32 $0x1  }
0x2: {  	[smem:$0x3FA0] =	sst lr;
	_ =	strace $0xD0000000  }
0x3: {  	_ = 	snop  }
0x4: {  	_ = 	snop  }
0x5: {  	_ = 	snop  }
0x6: {  	_ = 	snop  }
0x7: {  	_ = 	snop  }
__scs_overlays_trampoline_lowered:
0x8: {  	[smem:$0x3FAF] =	sst s0  }
0x9: {  	[smem:$0x3FB0] =	sst s1  }
0xa: {  	[smem:$0x3FB1] =	sst s2  }
0xb: {  	[smem:$0x3FB2] =	sst s3  }
0xc: {  	[smem:$0x3FB3] =	sst s4  }
0xd: {  	[smem:$0x3FB4] =	sst s5  }
0xe: {  	[smem:$0x3FB5] =	sst s6  }
0xf: {  	[smem:$0x3FB6] =	sst s7  }
0x10: {  	[smem:$0x3FB7] =	sst s8  }
0x11: {  	[smem:$0x3FB8] =	sst s9;
	s0 =	simm.s32 @!p0 $0x0  }
0x12: {  	s1 =	sld [smem:$0x3F9E];
	s0 =	simm.s32 @p0 $0x1  }
0x13: {  	[smem:$0x3FB9] =	sst s0;
	s0 =	simm.s32 @!p1 $0x0  }
0x14: {  	s2 =	sld [smem:$0x3F9D];
	s0 =	simm.s32 @p1 $0x1  }
0x15: {  	[smem:$0x3FBA] =	sst s0;
	s0 =	simm.s32 @!p2 $0x0  }
0x16: {  	s3 =	sld [smem:$0x3FDB];
	s0 =	simm.s32 @p2 $0x1  }
0x17: {  	s4 =	simm.s32 $0x1BF5;
	[smem:$0x3FBC] =	sst s0  }
0x18: {  	s0 =	sld [smem:$0x3F9F];
	_ =	swait.ge [sflag:s4], $0x0  }
0x19: {  	s7 =	sld [smem:$0x3FA0]  }
0x1a: {  	s8 =	sadd.s32 $0xFFFFE003, lr  }
0x1b: {  	s9 =	sadd.s32 $0xFFFFFEF7, lr;
	s5 =	simm.s32 $0xFFFFFFFF;
	p2 =	slt.u32 s8, $0xFFFFF086  }
0x1c: {  	p1 =	slt.u32 s9, $0xF7A;
	s5 =	simm.s32 @!p2 $0x0  }
0x1d: {  	s5 =	simm.s32 @p1 $0x1;
	p0 =	seq.s32 s7, s2  }
0x1e: {  	s7 =	smul.u32 @!p0 $0xF7A, s2;
	p2 =	seq.s32 @!p0 s5, $0x0  }
0x1f: {  	s9 =	smul.u32 $0xF7A, s1;
	s8 =	simm.s32 @!p0 $0x1BF5;
	p2 =	por !p2, p0  }
0x20: {  	[sflag:s8] =	ssyncset.s32 @!p0 $0xFFFFF086;
	s6 =	sadd.s32 @!p0 s3, s7;
	s7 =	simm.s32 @!p0 $0x108  }
0x21: {  	s3 =	sadd.s32 s3, s9;
	s6 =	sadd.s32 @!p0 $0x88, s6;
	s7 =	simm.s32 @p2 $0x1082  }
0x22: {  	[simem:s7], [sflag:s8] =	dma.local @!p0 [hbm:s6], $0xF7A  }
0x23: {  	s9 =	sor.u32 $0xD0000000, s2;
	s6 =	simm.s32 $0x108;
	_ =	swait.ge @!p0 [sflag:s8], $0x0  }
0x24: {  	s3 =	sadd.s32 $0x88, s3;
	s6 =	simm.s32 @!p1 $0x1082;
	[sflag:s4] =	ssyncset.s32 $0xFFFFF086  }
0x25: {  	[simem:s6], [sflag:s4] =	dma.local [hbm:s3], $0xF7A  }
0x26: {  	[smem:$0x3FA0] =	sst s1;
	(tag) =	ssettag s2;
	_ =	strace s9  }
0x27: {  	s1 =	sld [smem:$0x3FB0]  }
0x28: {  	s2 =	sld [smem:$0x3FB1]  }
0x29: {  	s4 =	sld [smem:$0x3FB3]  }
0x2a: {  	p0 =	seq.s32 s5, $0x0;
	s5 =	sld [smem:$0x3FB4]  }
0x2b: {  	s6 =	sld [smem:$0x3FB5]  }
0x2c: {  	s7 =	sld [smem:$0x3FB6]  }
0x2d: {  	s3 =	simm.s32 $0x108;
	s8 =	sld [smem:$0x3FB7]  }
0x2e: {  	s3 =	simm.s32 @!p0 $0x1082;
	s9 =	sld [smem:$0x3FB8]  }
0x2f: {  	lr =	sadd.s32 s0, s3;
	s0 =	sld [smem:$0x3FAF]  }
0x30: {  	s3 =	sld [smem:$0x3FB2]  }
0x31: {  	[smem:$0x3FBB] =	sst s10  }
0x32: {  	s10 =	sld [smem:$0x3FB9];
	_ =	sdelay $0x3  }
0x33: {  	p0 =	seq.s32 s10, $0x1;
	s10 =	sld [smem:$0x3FBB];
	_ =	sdelay $0x3  }
0x34: {  	[smem:$0x3FBB] =	sst s10  }
0x35: {  	s10 =	sld [smem:$0x3FBA];
	_ =	sdelay $0x3  }
0x36: {  	p1 =	seq.s32 s10, $0x1;
	s10 =	sld [smem:$0x3FBB];
	_ =	sdelay $0x3  }
0x37: {  	[smem:$0x3FBB] =	sst s10  }
0x38: {  	s10 =	sld [smem:$0x3FBC]  }
0x39: {  	_ = 	snop;
	(pc) =	sbr.ind lr, $3  }
0x3a: {  	_ = 	snop  }
0x3b: {  	_ = 	snop  }
0x3c: {  	p2 =	seq.s32 s10, $0x1;
	s10 =	sld [smem:$0x3FBB]  }
0x3d: {  	_ =	shalt  }
0x3e: {  	_ =	shalt  }
0x3f: {  	_ =	shalt  }
0x40: {  	_ =	shalt  }
0x41: {  	_ =	shalt  }
0x42: {  	_ =	shalt  }
0x43: {  	_ =	shalt  }
0x44: {  	_ =	shalt  }
0x45: {  	_ =	shalt  }
0x46: {  	_ =	shalt  }
0x47: {  	_ =	shalt  }
0x48: {  	_ =	shalt  }
0x49: {  	_ =	shalt  }
0x4a: {  	_ =	shalt  }
0x4b: {  	_ =	shalt  }
0x4c: {  	_ =	shalt  }
0x4d: {  	_ =	shalt  }
0x4e: {  	_ =	shalt  }
0x4f: {  	_ =	shalt  }
0x50: {  	_ =	shalt  }
0x51: {  	_ =	shalt  }
0x52: {  	_ =	shalt  }
0x53: {  	_ =	shalt  }
0x54: {  	_ =	shalt  }
0x55: {  	_ =	shalt  }
0x56: {  	_ =	shalt  }
0x57: {  	_ =	shalt  }
0x58: {  	_ =	shalt  }
0x59: {  	_ =	shalt  }
0x5a: {  	_ =	shalt  }
0x5b: {  	_ =	shalt  }
0x5c: {  	_ =	shalt  }
0x5d: {  	_ =	shalt  }
0x5e: {  	_ =	shalt  }
0x5f: {  	_ =	shalt  }
0x60: {  	_ =	shalt  }
0x61: {  	_ =	shalt  }
0x62: {  	_ =	shalt  }
0x63: {  	_ =	shalt  }
0x64: {  	_ =	shalt  }
0x65: {  	_ =	shalt  }
0x66: {  	_ =	shalt  }
0x67: {  	_ =	shalt  }
0x68: {  	_ =	shalt  }
0x69: {  	_ =	shalt  }
0x6a: {  	_ =	shalt  }
0x6b: {  	_ =	shalt  }
0x6c: {  	_ =	shalt  }
0x6d: {  	_ =	shalt  }
0x6e: {  	_ =	shalt  }
0x6f: {  	_ =	shalt  }
0x70: {  	_ =	shalt  }
0x71: {  	_ =	shalt  }
0x72: {  	_ =	shalt  }
0x73: {  	_ =	shalt  }
0x74: {  	_ =	shalt  }
0x75: {  	_ =	shalt  }
0x76: {  	_ =	shalt  }
0x77: {  	_ =	shalt  }
0x78: {  	_ =	shalt  }
0x79: {  	_ =	shalt  }
0x7a: {  	_ =	shalt  }
0x7b: {  	_ =	shalt  }
0x7c: {  	_ =	shalt  }
0x7d: {  	_ =	shalt  }
0x7e: {  	_ =	shalt  }
0x7f: {  	_ =	shalt  }
0x80: {  	_ =	shalt  }
0x81: {  	_ =	shalt  }
0x82: {  	_ =	shalt  }
0x83: {  	_ =	shalt  }
0x84: {  	_ =	shalt  }
0x85: {  	_ =	shalt  }
0x86: {  	_ =	shalt  }
0x87: {  	_ =	shalt  }
.Lfunc_end0:
.L_simem_size_0:
called_computation_lowered:
.L_overlay_start_0:
0x88: {  	s2 =	sld [smem:$0x3FD9]  }
0x89: {  	s3 =	sld [smem:$0x3FFE];
	_ =	sdelay $0x1  }
0x8a: {  	s1 =	srdreg.scid  }
0x8b: {  	s0 =	sand.u32 $0x1, s1  }
0x8c: {  	s15 =	sshll.u32 s0, $0xA;
	s2 =	sadd.s32 s3, s2  }
0x8d: {  	s2 =	sadd.s32 s2, s15  }
0x8e: {  	[smem:$0x3FC7] =	sst s2  }
0x8f: {  	_ = 	snop  }
0x90: {  	s2 =	sld [smem:$0x3FD0];
	_ =	sdelay $0x2  }
0x91: {  	s4 =	simm.s32 $0xA;
	s5 =	simm.s32 $0x10;
	s16 =	sld [smem:$0x3FC9]  }
0x92: {  	[smem:s5], [sflag:s4] =	dma.local [hbm:s2], $0x1  }
0x93: {  	_ =	swait.eq [sflag:s4], $0x1  }
0x94: {  	[sflag:s4] =	ssyncset.done $0x0  }
0x95: {  	s17 =	sld [smem:$0x10];
	[sflag:s4] =	ssyncadd.s32 $0xFFFFFFFF  }
0x96: {  	s18 =	sld [smem:$0x12];
	(tm) =	ssettm $0x1  }
0x97: {  	s19 =	sld [smem:$0x3FFB];
	_ =	sdelay $0x3  }
0x98: {  	_ =	strace s19  }
0x99: {  	s5 =	sld [smem:$0x3FFC];
	_ =	sdelay $0x3  }
0x9a: {  	_ =	strace s5  }
0x9b: {  	s5 =	sld [smem:$0x3FFD];
	_ =	sdelay $0x3  }
0x9c: {  	_ =	strace s5  }
0x9d: {  	_ =	strace $0x8FFFFFFF  }
0x9e: {  	s20 =	sld [smem:$0x3FDB];
	_ =	sdelay $0x1  }
0x9f: {  	s6 =	simm.s32 $_scs_section_size  }
0xa0: {  	s7 =	simm.s32 $_size__tile_overlayer_lowered;
	s8 =	simm.s32 $_tile_overlayer_lowered  }
0xa1: {  	s23 =	simm.s32 $0x1BFF;
	s22 =	sshll.u32 s8, $0x1;
	s5 =	sadd.s32 s6, s20  }
0xa2: {  	s9 =	simm.s32 $0x0;
	s21 =	sshll.u32 s7, $0x1;
	s7 =	sadd.s32 s22, s5  }
0xa3: {  	[timem:s9], [sflag:s23] =	dma.local [hbm:s7], s21  }
0xa4: {  	_ =	swait.ge [sflag:s23], s21  }
0xa5: {  	s6 =	ssub.s32 $0x0, s21;
	[sflag:s23] =	ssyncset.done $0x0  }
0xa6: {  	[sflag:s23] =	ssyncadd.s32 s6;
	_ =	sdelay $0x1  }
0xa7: {  	s24 =	simm.s32 $0x1B8B  }
0xa8: {  	_ =	swait.ge [sflag:s24], $0x1  }
0xa9: {  	[sflag:s24] =	ssyncset.done $0x0  }
0xaa: {  	s25 =	simm.s32 $0x1B8E;
	[sflag:s24] =	ssyncadd.s32 $0xFFFFFFFF  }
0xab: {  	s26 =	simm.s32 $execute0_lowered;
	[smem:$0x3FD2] =	sst s25  }
0xac: {  	s6 =	sshll.u32 s26, $0x1;
	_ =	strace $0x80000046;
	[dreg:$0x1] =	wrdreg $0xFFFFFFFF  }
0xad: {  	s28 =	simm.s32 $_size_execute0_lowered;
	s5 =	sadd.s32 s5, s6;
	[dreg:$0x0] =	wrdreg $0x0  }
0xae: {  	s6 =	sshll.u32 s28, $0x1;
	[dreg:$0x2] =	wrdreg s5  }
0xaf: {  	[dreg:$0x3] =	wrdreg s6  }
0xb0: {  	[dreg:$0x4] =	wrdreg $0xC0  }
0xb1: {  	_ =	task [dreg:s9], $0x5FFFF  }
0xb2: {  	[dreg:$0x1] =	wrdreg $0xFFFFFFFF  }
0xb3: {  	[dreg:$0x0] =	wrdreg $0x60  }
0xb4: {  	[dreg:$0x2] =	wrdreg s16  }
0xb5: {  	[dreg:$0x3] =	wrdreg s18  }
0xb6: {  	[dreg:$0x4] =	wrdreg s17  }
0xb7: {  	[dreg:$0x5] =	wrdreg $0x9  }
0xb8: {  	_ =	task.clear_ibuf [dreg:s9], $0x6FFFF;
	_ =	strace $0x90000046  }
0xb9: {  	s29 =	simm.s32 $0x9;
	_ =	strace $0x80000048  }
0xba: {  	_ =	swait.ge [sflag:s29], $0x1  }
0xbb: {  	[sflag:s29] =	ssyncadd.s32 $0xFFFFFFFF  }
0xbc: {  	_ =	strace $0x90000048  }
0xbd: {  	_ =	sfence  }
0xbe: {  	s30 =	sld [smem:$0x0];
	_ =	sdelay $0x2  }
0xbf: {  	s31 =	sshll.u32 s1, $0xD;
	s1 =	sshrl.u32 s1, $0x2  }
0xc0: {  	s3 =	sand.u32 $0x4000, s31;
	s1 =	sadd.s32 s1, s30  }
0xc1: {  	s0 =	sor.u32 s3, s0;
	s1 =	sshll.u32 s1, $0x11  }
0xc2: {  	s0 =	sor.u32 s1, s0  }
0xc3: {  	s0 =	sadd.s32 $0x8F2B, s0  }
0xc4: {  	[sflag:s0] =	ssyncadd.remote.s32 $0x1  }
0xc5: {  	_ =	sfence.sel $0xFFFF  }
0xc6: {  	[dreg:$0x0] =	wrdreg $0xFFFFFFFF;
	(pc) =	sbr.abs _section_cstart, $3  }
0xc7: {  	[dreg:$0x1] =	wrdreg $0xFFFFFFFF  }
0xc8: {  	_ =	task.clear_ibuf [dreg:s9], $0x2FFFF;
	_ =	strace $0x9FFFFFFF  }
0xc9: {  	(tm) =	ssettm $0x7FFFFFFF  }
tec
execute0_lowered:
.L_overlay_start_1:
0x0: {  	(tag) =	ssettag $0x1  }
0x1: {  	s2 =	rddreg [dreg:$0x0]  }
0x2: {  	s0 =	rddreg [dreg:$0x1];
	s1 =	srdreg.scid  }
0x3: {  	s4 =	rddreg [dreg:$0x2];
	s3 =	stileid.u32;
	s10 =	simm.s32 $0x200  }
0x4: {  	s22 =	simm.s32 $0x6200;
	s24 =	simm.s32 $0xCA00;
	s21 =	simm.s32 $0x12200  }
0x5: {  	s28 =	simm.s32 $0x14A00;
	s29 =	simm.s32 $0x15200;
	s30 =	simm.s32 $0x15A00  }
0x6: {  	s31 =	simm.s32 $0x16200;
	s9 =	simm.s32 $0x1;
	s11 =	simm.s32 $0x2  }
0x7: {  	s12 =	simm.s32 $0x3;
	s13 =	simm.s32 $0x4;
	s14 =	simm.s32 $0x5  }
0x8: {  	s15 =	simm.s32 $0x6;
	s16 =	simm.s32 $0x7;
	s17 =	simm.s32 $0x8  }
0x9: {  	s19 =	simm.s32 $0x0;
	s1 =	sand.u32 $0x1, s1;
	s5 =	sshll.u32 s3, $0xA  }
0xa: {  	s3 =	simm.s32 $0x0;
	s6 =	sshll.u32 s1, $0x9;
	s1 =	ssub.s32 $0x2, s1  }
0xb: {  	[smem:$0x7FF] =	sst s3;
	s5 =	sor.u32 s6, s5;
	s25 =	sshrl.u32 s1, $0x1  }
0xc: {  	_ =	strace $0x80000047;
	s6 =	sadd.s32 $0x200, s2;
	s5 =	sshrl.u32 s5, $0x3  }
.Ltmp0:
0xd: {  	s1 =	ssub.s32 s1, s25;
	s25 =	simm.s32 $0x13A00;
	(pc) =	sbr.rel .LBB2_1-.Ltmp0, $4  }
0xe: {  	s7 =	smul.u32 $0x300, s5;
	s0 =	sadd.s32 s0, s5;
	s5 =	sadd.s32 $0x100, s2  }
0xf: {  	v2 =	vlaneseq.u32;
	s26 =	smax.u32 s1, $0x1;
	s1 =	simm.s32 $0x17200;
	[dreg:$0x4] =	wrdreg s0  }
0x10: {  	vm0 =	vmmov $0xffff;
	v1 =	vshrl.u32 v2, $0x3;
	[dreg:$0x5] =	wrdreg s26;
	s26 =	simm.s32 $0x14200;
	s0 =	simm.s32 $0x16A00  }
0x11: {  	v0 =	vand.u32 $0x7, v2;
	v2 =	vor.u32 $0x8, v2;
	v1 =	vmul.u32 $0x8, v1;
	s8 =	sadd.s32 s7, s4;
	s7 =	simm.s32 $0xC200;
	s4 =	simm.s32 $0x17A00  }
.LBB2_7:
0x12: {  	_ =	swait.ge [sflag:s13], $0x6000  }
0x13: {  	[sflag:s13] =	ssyncset.done $0x0  }
0x14: {  	[sflag:s13] =	ssyncadd.s32 $0xFFFFA000  }
0x15: {  	[hbm4b:s20+s3] =	stream.linear.scatter [tilespmem:s21], [sflag:$0x8], $0x6000, $0x38;
	[tilespmem:$0x18200] =	vst v63  }
0x16: {  	_ =	swait.ge [sflag:s14], $0x6000  }
0x17: {  	[sflag:s14] =	ssyncset.done $0x0  }
0x18: {  	[sflag:s14] =	ssyncadd.s32 $0xFFFFA000  }
0x19: {  	_ =	swait.ge [sflag:s15], $0x6000  }
0x1a: {  	[sflag:s15] =	ssyncset.done $0x0  }
0x1b: {  	[sflag:s15] =	ssyncadd.s32 $0xFFFFA000  }
0x1c: {  	_ =	swait.ge [sflag:s16], $0x6000  }
0x1d: {  	[sflag:s16] =	ssyncset.done $0x0  }
0x1e: {  	[sflag:s16] =	ssyncadd.s32 $0xFFFFA000  }
0x1f: {  	_ =	swait.ge [sflag:s17], $0x6000  }
0x20: {  	s19 =	rddreg [dreg:$0x6]  }
0x21: {  	s18 =	rddreg [dreg:$0x5];
	s19 =	sadd.s32 $0x1, s19  }
0x22: {  	p0 =	sne.s32 s19, s18  }
.Ltmp1:
0x23: {  	_ = 	snop;
	(pc) =	sbr.rel @!p0 .LBB2_8-.Ltmp1, $3  }
0x24: {  	_ =	sdelay $0x1  }
0x25: {  	[sflag:s17] =	ssyncset.done $0x0  }
0x26: {  	[sflag:s17] =	ssyncadd.s32 $0xFFFFA000  }
.LBB2_1:
0x27: {  	[dreg:$0x6] =	wrdreg s19  }
0x28: {  	s18 =	rddreg [dreg:$0x4];
	s20 =	simm.s32 $0x9  }
0x29: {  	[tilespmem:s3], [sflag:$0x9] =	stream.linear.gather [hbm4b:s18+s3], $0x200, $0x38;
	[tilespmem:$0x18200] =	vst v63  }
0x2a: {  	_ =	swait.ge [sflag:s20], $0x200  }
0x2b: {  	[sflag:s20] =	ssyncset.done $0x0  }
0x2c: {  	[sflag:s20] =	ssyncadd.s32 $0xFFFFFE00  }
0x2d: {  	v3 =	vld [tilespmem:$0x0];
	_ =	sdelay $0x4  }
0x2e: {  	v4 =	vshrl.u32 v3, $0x3  }
0x2f: {  	v4 =	vmul.u32 $0x30, v4  }
0x30: {  	v3 =	vand.u32 $0x7, v3  }
0x31: {  	v3 =	vor.u32 v3, v4  }
0x32: {  	v4 =	vperm.xlane v3, v0;
	_ =	sdelay $0x1  }
0x33: {  	v4 =	vadd.s32 v1, v4;
	_ =	sdelay $0x3  }
0x34: {  	v3 =	vperm.xlane v3, v2  }
0x35: {  	[tilespmem:s10], [sflag:$0x1] =	stream.indirect_vreg.gather [hbm4b:s2+s3], $0x80, v4, vm0, $0xb8;
	[tilespmem:$0x18200] =	vst v63  }
0x36: {  	s23 =	simm.s32 $0xA00;
	v3 =	vadd.s32 v1, v3  }
0x37: {  	[tilespmem:s23], [sflag:$0x1] =	stream.indirect_vreg.gather [hbm4b:s5+s3], $0x80, v4, vm0, $0xb8;
	[tilespmem:$0x18200] =	vst v63  }
0x38: {  	s19 =	simm.s32 $0x1200  }
0x39: {  	[tilespmem:s19], [sflag:$0x1] =	stream.indirect_vreg.gather [hbm4b:s6+s3], $0x80, v4, vm0, $0xb8;
	[tilespmem:$0x18200] =	vst v63  }
0x3a: {  	s20 =	simm.s32 $0x1A00  }
0x3b: {  	[tilespmem:s20], [sflag:$0x1] =	stream.indirect_vreg.gather [hbm4b:s2+s3], $0x80, v3, vm0, $0xb8;
	[tilespmem:$0x18200] =	vst v63  }
0x3c: {  	s23 =	simm.s32 $0x2200  }
0x3d: {  	[tilespmem:s23], [sflag:$0x1] =	stream.indirect_vreg.gather [hbm4b:s5+s3], $0x80, v3, vm0, $0xb8;
	[tilespmem:$0x18200] =	vst v63  }
0x3e: {  	s19 =	simm.s32 $0x2A00  }
0x3f: {  	[tilespmem:s19], [sflag:$0x1] =	stream.indirect_vreg.gather [hbm4b:s6+s3], $0x80, v3, vm0, $0xb8;
	[tilespmem:$0x18200] =	vst v63  }
0x40: {  	v3 =	vld [tilespmem:$0x10];
	_ =	sdelay $0x4  }
0x41: {  	v57 =	vshrl.u32 v3, $0x3  }
0x42: {  	v4 =	vmul.u32 $0x30, v57  }
0x43: {  	v3 =	vand.u32 $0x7, v3  }
0x44: {  	v3 =	vor.u32 v3, v4  }
0x45: {  	v4 =	vperm.xlane v3, v0;
	_ =	sdelay $0x1  }
0x46: {  	v4 =	vadd.s32 v1, v4;
	_ =	sdelay $0x3  }
0x47: {  	s20 =	simm.s32 $0x3200;
	v3 =	vperm.xlane v3, v2  }
0x48: {  	[tilespmem:s20], [sflag:$0x1] =	stream.indirect_vreg.gather [hbm4b:s2+s3], $0x80, v4, vm0, $0xb8;
	[tilespmem:$0x18200] =	vst v63  }
0x49: {  	s23 =	simm.s32 $0x3A00;
	v3 =	vadd.s32 v1, v3  }
0x4a: {  	[tilespmem:s23], [sflag:$0x1] =	stream.indirect_vreg.gather [hbm4b:s5+s3], $0x80, v4, vm0, $0xb8;
	[tilespmem:$0x18200] =	vst v63  }
0x4b: {  	s19 =	simm.s32 $0x4200  }
0x4c: {  	[tilespmem:s19], [sflag:$0x1] =	stream.indirect_vreg.gather [hbm4b:s6+s3], $0x80, v4, vm0, $0xb8;
	[tilespmem:$0x18200] =	vst v63  }
0x4d: {  	s20 =	simm.s32 $0x4A00  }
0x4e: {  	[tilespmem:s20], [sflag:$0x1] =	stream.indirect_vreg.gather [hbm4b:s2+s3], $0x80, v3, vm0, $0xb8;
	[tilespmem:$0x18200] =	vst v63  }
0x4f: {  	s23 =	simm.s32 $0x5200  }
0x50: {  	[tilespmem:s23], [sflag:$0x1] =	stream.indirect_vreg.gather [hbm4b:s5+s3], $0x80, v3, vm0, $0xb8;
	[tilespmem:$0x18200] =	vst v63  }
0x51: {  	s19 =	simm.s32 $0x5A00  }
0x52: {  	[tilespmem:s19], [sflag:$0x1] =	stream.indirect_vreg.gather [hbm4b:s6+s3], $0x80, v3, vm0, $0xb8;
	[tilespmem:$0x18200] =	vst v63  }
0x53: {  	v3 =	vld [tilespmem:$0x20];
	_ =	sdelay $0x4  }
0x54: {  	v58 =	vshrl.u32 v3, $0x3  }
0x55: {  	v4 =	vmul.u32 $0x30, v58  }
0x56: {  	v3 =	vand.u32 $0x7, v3  }
0x57: {  	v3 =	vor.u32 v3, v4  }
0x58: {  	v4 =	vperm.xlane v3, v0;
	_ =	sdelay $0x1  }
0x59: {  	v4 =	vadd.s32 v1, v4;
	_ =	sdelay $0x3  }
0x5a: {  	v3 =	vperm.xlane v3, v2  }
0x5b: {  	[tilespmem:s22], [sflag:$0x2] =	stream.indirect_vreg.gather [hbm4b:s2+s3], $0x80, v4, vm0, $0xb8;
	[tilespmem:$0x18200] =	vst v63  }
0x5c: {  	s20 =	simm.s32 $0x6A00;
	v3 =	vadd.s32 v1, v3  }
0x5d: {  	[tilespmem:s20], [sflag:$0x2] =	stream.indirect_vreg.gather [hbm4b:s5+s3], $0x80, v4, vm0, $0xb8;
	[tilespmem:$0x18200] =	vst v63  }
0x5e: {  	s23 =	simm.s32 $0x7200  }
0x5f: {  	[tilespmem:s23], [sflag:$0x2] =	stream.indirect_vreg.gather [hbm4b:s6+s3], $0x80, v4, vm0, $0xb8;
	[tilespmem:$0x18200] =	vst v63  }
0x60: {  	s19 =	simm.s32 $0x7A00  }
0x61: {  	[tilespmem:s19], [sflag:$0x2] =	stream.indirect_vreg.gather [hbm4b:s2+s3], $0x80, v3, vm0, $0xb8;
	[tilespmem:$0x18200] =	vst v63  }
0x62: {  	s20 =	simm.s32 $0x8200  }
0x63: {  	[tilespmem:s20], [sflag:$0x2] =	stream.indirect_vreg.gather [hbm4b:s5+s3], $0x80, v3, vm0, $0xb8;
	[tilespmem:$0x18200] =	vst v63  }
0x64: {  	s23 =	simm.s32 $0x8A00  }
0x65: {  	[tilespmem:s23], [sflag:$0x2] =	stream.indirect_vreg.gather [hbm4b:s6+s3], $0x80, v3, vm0, $0xb8;
	[tilespmem:$0x18200] =	vst v63  }
0x66: {  	v3 =	vld [tilespmem:$0x30];
	_ =	sdelay $0x4  }
0x67: {  	v59 =	vshrl.u32 v3, $0x3  }
0x68: {  	v4 =	vmul.u32 $0x30, v59  }
0x69: {  	v3 =	vand.u32 $0x7, v3  }
0x6a: {  	v3 =	vor.u32 v3, v4  }
0x6b: {  	v4 =	vperm.xlane v3, v0;
	_ =	sdelay $0x1  }
0x6c: {  	v4 =	vadd.s32 v1, v4;
	_ =	sdelay $0x3  }
0x6d: {  	s19 =	simm.s32 $0x9200;
	v3 =	vperm.xlane v3, v2  }
0x6e: {  	[tilespmem:s19], [sflag:$0x2] =	stream.indirect_vreg.gather [hbm4b:s2+s3], $0x80, v4, vm0, $0xb8;
	[tilespmem:$0x18200] =	vst v63  }
0x6f: {  	s20 =	simm.s32 $0x9A00;
	v3 =	vadd.s32 v1, v3  }
0x70: {  	[tilespmem:s20], [sflag:$0x2] =	stream.indirect_vreg.gather [hbm4b:s5+s3], $0x80, v4, vm0, $0xb8;
	[tilespmem:$0x18200] =	vst v63  }
0x71: {  	s23 =	simm.s32 $0xA200  }
0x72: {  	[tilespmem:s23], [sflag:$0x2] =	stream.indirect_vreg.gather [hbm4b:s6+s3], $0x80, v4, vm0, $0xb8;
	[tilespmem:$0x18200] =	vst v63  }
0x73: {  	s19 =	simm.s32 $0xAA00  }
0x74: {  	[tilespmem:s19], [sflag:$0x2] =	stream.indirect_vreg.gather [hbm4b:s2+s3], $0x80, v3, vm0, $0xb8;
	[tilespmem:$0x18200] =	vst v63  }
0x75: {  	s20 =	simm.s32 $0xB200  }
0x76: {  	[tilespmem:s20], [sflag:$0x2] =	stream.indirect_vreg.gather [hbm4b:s5+s3], $0x80, v3, vm0, $0xb8;
	[tilespmem:$0x18200] =	vst v63  }
0x77: {  	s23 =	simm.s32 $0xBA00  }
0x78: {  	[tilespmem:s23], [sflag:$0x2] =	stream.indirect_vreg.gather [hbm4b:s6+s3], $0x80, v3, vm0, $0xb8;
	[tilespmem:$0x18200] =	vst v63  }
0x79: {  	v3 =	vld [tilespmem:$0x40];
	_ =	sdelay $0x4  }
0x7a: {  	v60 =	vshrl.u32 v3, $0x3  }
0x7b: {  	v4 =	vmul.u32 $0x30, v60  }
0x7c: {  	v3 =	vand.u32 $0x7, v3  }
0x7d: {  	v3 =	vor.u32 v3, v4  }
0x7e: {  	v4 =	vperm.xlane v3, v0;
	_ =	sdelay $0x1  }
0x7f: {  	v4 =	vadd.s32 v1, v4;
	_ =	sdelay $0x3  }
0x80: {  	v3 =	vperm.xlane v3, v2  }
0x81: {  	[tilespmem:s7], [sflag:$0x3] =	stream.indirect_vreg.gather [hbm4b:s2+s3], $0x80, v4, vm0, $0xb8;
	[tilespmem:$0x18200] =	vst v63  }
0x82: {  	v3 =	vadd.s32 v1, v3  }
0x83: {  	[tilespmem:s24], [sflag:$0x3] =	stream.indirect_vreg.gather [hbm4b:s5+s3], $0x80, v4, vm0, $0xb8;
	[tilespmem:$0x18200] =	vst v63  }
0x84: {  	s19 =	simm.s32 $0xD200  }
0x85: {  	[tilespmem:s19], [sflag:$0x3] =	stream.indirect_vreg.gather [hbm4b:s6+s3], $0x80, v4, vm0, $0xb8;
	[tilespmem:$0x18200] =	vst v63  }
0x86: {  	s20 =	simm.s32 $0xDA00  }
0x87: {  	[tilespmem:s20], [sflag:$0x3] =	stream.indirect_vreg.gather [hbm4b:s2+s3], $0x80, v3, vm0, $0xb8;
	[tilespmem:$0x18200] =	vst v63  }
0x88: {  	s23 =	simm.s32 $0xE200  }
0x89: {  	[tilespmem:s23], [sflag:$0x3] =	stream.indirect_vreg.gather [hbm4b:s5+s3], $0x80, v3, vm0, $0xb8;
	[tilespmem:$0x18200] =	vst v63  }
0x8a: {  	s19 =	simm.s32 $0xEA00  }
0x8b: {  	[tilespmem:s19], [sflag:$0x3] =	stream.indirect_vreg.gather [hbm4b:s6+s3], $0x80, v3, vm0, $0xb8;
	[tilespmem:$0x18200] =	vst v63  }
0x8c: {  	v3 =	vld [tilespmem:$0x50];
	_ =	sdelay $0x4  }
0x8d: {  	v61 =	vshrl.u32 v3, $0x3  }
0x8e: {  	v4 =	vmul.u32 $0x30, v61  }
0x8f: {  	v3 =	vand.u32 $0x7, v3  }
0x90: {  	v3 =	vor.u32 v3, v4  }
0x91: {  	v4 =	vperm.xlane v3, v0;
	_ =	sdelay $0x1  }
0x92: {  	v4 =	vadd.s32 v1, v4;
	_ =	sdelay $0x3  }
0x93: {  	s20 =	simm.s32 $0xF200;
	v3 =	vperm.xlane v3, v2  }
0x94: {  	[tilespmem:s20], [sflag:$0x3] =	stream.indirect_vreg.gather [hbm4b:s2+s3], $0x80, v4, vm0, $0xb8;
	[tilespmem:$0x18200] =	vst v63  }
0x95: {  	s23 =	simm.s32 $0xFA00;
	v3 =	vadd.s32 v1, v3  }
0x96: {  	[tilespmem:s23], [sflag:$0x3] =	stream.indirect_vreg.gather [hbm4b:s5+s3], $0x80, v4, vm0, $0xb8;
	[tilespmem:$0x18200] =	vst v63  }
0x97: {  	s19 =	simm.s32 $0x10200  }
0x98: {  	[tilespmem:s19], [sflag:$0x3] =	stream.indirect_vreg.gather [hbm4b:s6+s3], $0x80, v4, vm0, $0xb8;
	[tilespmem:$0x18200] =	vst v63  }
0x99: {  	s20 =	simm.s32 $0x10A00  }
0x9a: {  	[tilespmem:s20], [sflag:$0x3] =	stream.indirect_vreg.gather [hbm4b:s2+s3], $0x80, v3, vm0, $0xb8;
	[tilespmem:$0x18200] =	vst v63  }
0x9b: {  	s23 =	simm.s32 $0x11200  }
0x9c: {  	[tilespmem:s23], [sflag:$0x3] =	stream.indirect_vreg.gather [hbm4b:s5+s3], $0x80, v3, vm0, $0xb8;
	[tilespmem:$0x18200] =	vst v63  }
0x9d: {  	s19 =	simm.s32 $0x11A00  }
0x9e: {  	[tilespmem:s19], [sflag:$0x3] =	stream.indirect_vreg.gather [hbm4b:s6+s3], $0x80, v3, vm0, $0xb8;
	[tilespmem:$0x18200] =	vst v63  }
0x9f: {  	v3 =	vld [tilespmem:$0x60];
	_ =	sdelay $0x4  }
0xa0: {  	v62 =	vshrl.u32 v3, $0x3  }
0xa1: {  	v4 =	vmul.u32 $0x30, v62  }
0xa2: {  	v3 =	vand.u32 $0x7, v3  }
0xa3: {  	v3 =	vor.u32 v3, v4  }
0xa4: {  	v4 =	vperm.xlane v3, v0;
	_ =	sdelay $0x1  }
0xa5: {  	v4 =	vadd.s32 v1, v4;
	_ =	sdelay $0x3  }
0xa6: {  	v3 =	vperm.xlane v3, v2  }
0xa7: {  	[tilespmem:s21], [sflag:$0x4] =	stream.indirect_vreg.gather [hbm4b:s2+s3], $0x80, v4, vm0, $0xb8;
	[tilespmem:$0x18200] =	vst v63  }
0xa8: {  	s20 =	simm.s32 $0x12A00;
	v3 =	vadd.s32 v1, v3  }
0xa9: {  	[tilespmem:s20], [sflag:$0x4] =	stream.indirect_vreg.gather [hbm4b:s5+s3], $0x80, v4, vm0, $0xb8;
	[tilespmem:$0x18200] =	vst v63  }
0xaa: {  	s23 =	simm.s32 $0x13200  }
0xab: {  	[tilespmem:s23], [sflag:$0x4] =	stream.indirect_vreg.gather [hbm4b:s6+s3], $0x80, v4, vm0, $0xb8;
	[tilespmem:$0x18200] =	vst v63  }
0xac: {  	_ = 	snop  }
0xad: {  	[tilespmem:s25], [sflag:$0x4] =	stream.indirect_vreg.gather [hbm4b:s2+s3], $0x80, v3, vm0, $0xb8;
	[tilespmem:$0x18200] =	vst v63  }
0xae: {  	_ = 	snop  }
0xaf: {  	[tilespmem:s26], [sflag:$0x4] =	stream.indirect_vreg.gather [hbm4b:s5+s3], $0x80, v3, vm0, $0xb8;
	[tilespmem:$0x18200] =	vst v63  }
0xb0: {  	_ = 	snop  }
0xb1: {  	[tilespmem:s28], [sflag:$0x4] =	stream.indirect_vreg.gather [hbm4b:s6+s3], $0x80, v3, vm0, $0xb8;
	[tilespmem:$0x18200] =	vst v63  }
0xb2: {  	v3 =	vld [tilespmem:$0x70];
	_ =	sdelay $0x4  }
0xb3: {  	v63 =	vshrl.u32 v3, $0x3  }
0xb4: {  	v4 =	vmul.u32 $0x30, v63  }
0xb5: {  	v3 =	vand.u32 $0x7, v3  }
0xb6: {  	v3 =	vor.u32 v3, v4  }
0xb7: {  	v4 =	vperm.xlane v3, v0;
	_ =	sdelay $0x1  }
0xb8: {  	v4 =	vadd.s32 v1, v4;
	_ =	sdelay $0x3  }
0xb9: {  	v3 =	vperm.xlane v3, v2  }
0xba: {  	[tilespmem:s29], [sflag:$0x4] =	stream.indirect_vreg.gather [hbm4b:s2+s3], $0x80, v4, vm0, $0xb8;
	[tilespmem:$0x18200] =	vst v63  }
0xbb: {  	v3 =	vadd.s32 v1, v3  }
0xbc: {  	[tilespmem:s30], [sflag:$0x4] =	stream.indirect_vreg.gather [hbm4b:s5+s3], $0x80, v4, vm0, $0xb8;
	[tilespmem:$0x18200] =	vst v63  }
0xbd: {  	_ = 	snop  }
0xbe: {  	[tilespmem:s31], [sflag:$0x4] =	stream.indirect_vreg.gather [hbm4b:s6+s3], $0x80, v4, vm0, $0xb8;
	[tilespmem:$0x18200] =	vst v63  }
0xbf: {  	_ = 	snop  }
0xc0: {  	[tilespmem:s0], [sflag:$0x4] =	stream.indirect_vreg.gather [hbm4b:s2+s3], $0x80, v3, vm0, $0xb8;
	[tilespmem:$0x18200] =	vst v63  }
0xc1: {  	_ = 	snop  }
0xc2: {  	[tilespmem:s1], [sflag:$0x4] =	stream.indirect_vreg.gather [hbm4b:s5+s3], $0x80, v3, vm0, $0xb8;
	[tilespmem:$0x18200] =	vst v63  }
0xc3: {  	s18 =	simm.s32 $0xF0;
	s19 =	simm.s32 $0x0  }
0xc4: {  	[tilespmem:s4], [sflag:$0x4] =	stream.indirect_vreg.gather [hbm4b:s6+s3], $0x80, v3, vm0, $0xb8;
	[tilespmem:$0x18200] =	vst v63  }
.LBB2_2:
0xc5: {  	p0 =	seq.s32 s19, $0x9000  }
.Ltmp2:
0xc6: {  	_ = 	snop;
	(pc) =	sbr.rel @!p0 .LBB2_3-.Ltmp2, $4  }
0xc7: {  	_ =	swait.ge [sflag:s9], $0x6000  }
0xc8: {  	s20 =	sadd.s32 s19, s8;
	[sflag:s9] =	ssyncset.done $0x0  }
0xc9: {  	s23 =	sadd.s32 $0xC00, s20;
	[sflag:s9] =	ssyncadd.s32 $0xFFFFA000  }
0xca: {  	[hbm4b:s20+s3] =	stream.linear.scatter [tilespmem:s10], [sflag:$0x5], $0x6000, $0x38;
	[tilespmem:$0x18200] =	vst v63  }
.Ltmp3:
0xcb: {  	(pc) =	sbr.rel .LBB2_5-.Ltmp3, $4  }
0xcc: {  	_ =	swait.ge [sflag:s11], $0x6000  }
0xcd: {  	[sflag:s11] =	ssyncset.done $0x0  }
0xce: {  	[sflag:s11] =	ssyncadd.s32 $0xFFFFA000  }
0xcf: {  	[hbm4b:s23+s3] =	stream.linear.scatter [tilespmem:s22], [sflag:$0x6], $0x6000, $0x38;
	[tilespmem:$0x18200] =	vst v63  }
.LBB2_3:
0xd0: {  	_ =	swait.ge [sflag:s14], $0x6000  }
0xd1: {  	[sflag:s14] =	ssyncset.done $0x0  }
0xd2: {  	[sflag:s14] =	ssyncadd.s32 $0xFFFFA000  }
0xd3: {  	v3 =	vld [tilespmem:s18+$0xFFFFFF90];
	_ =	sdelay $0x4  }
0xd4: {  	v4 =	vshrl.u32 v3, $0x3  }
0xd5: {  	v4 =	vmul.u32 $0x30, v4  }
0xd6: {  	v3 =	vand.u32 $0x7, v3  }
0xd7: {  	v3 =	vor.u32 v3, v4  }
0xd8: {  	v4 =	vperm.xlane v3, v0;
	_ =	sdelay $0x1  }
0xd9: {  	v4 =	vadd.s32 v1, v4;
	_ =	sdelay $0x3  }
0xda: {  	v3 =	vperm.xlane v3, v2  }
0xdb: {  	[tilespmem:s10], [sflag:$0x1] =	stream.indirect_vreg.gather [hbm4b:s2+s3], $0x80, v4, vm0, $0xb8;
	[tilespmem:$0x18200] =	vst v63  }
0xdc: {  	s24 =	simm.s32 $0xA00;
	v3 =	vadd.s32 v1, v3  }
0xdd: {  	[tilespmem:s24], [sflag:$0x1] =	stream.indirect_vreg.gather [hbm4b:s5+s3], $0x80, v4, vm0, $0xb8;
	[tilespmem:$0x18200] =	vst v63  }
0xde: {  	s24 =	simm.s32 $0x1200  }
0xdf: {  	[tilespmem:s24], [sflag:$0x1] =	stream.indirect_vreg.gather [hbm4b:s6+s3], $0x80, v4, vm0, $0xb8;
	[tilespmem:$0x18200] =	vst v63  }
0xe0: {  	s24 =	simm.s32 $0x1A00  }
0xe1: {  	[tilespmem:s24], [sflag:$0x1] =	stream.indirect_vreg.gather [hbm4b:s2+s3], $0x80, v3, vm0, $0xb8;
	[tilespmem:$0x18200] =	vst v63  }
0xe2: {  	s24 =	simm.s32 $0x2200  }
0xe3: {  	[tilespmem:s24], [sflag:$0x1] =	stream.indirect_vreg.gather [hbm4b:s5+s3], $0x80, v3, vm0, $0xb8;
	[tilespmem:$0x18200] =	vst v63  }
0xe4: {  	s24 =	simm.s32 $0x2A00  }
0xe5: {  	[tilespmem:s24], [sflag:$0x1] =	stream.indirect_vreg.gather [hbm4b:s6+s3], $0x80, v3, vm0, $0xb8;
	[tilespmem:$0x18200] =	vst v63  }
0xe6: {  	v3 =	vld [tilespmem:s18+$0xFFFFFFA0];
	_ =	sdelay $0x4  }
0xe7: {  	v61 =	vshrl.u32 v3, $0x3  }
0xe8: {  	v4 =	vmul.u32 $0x30, v61  }
0xe9: {  	v3 =	vand.u32 $0x7, v3  }
0xea: {  	v3 =	vor.u32 v3, v4  }
0xeb: {  	v4 =	vperm.xlane v3, v0;
	_ =	sdelay $0x1  }
0xec: {  	v4 =	vadd.s32 v1, v4;
	_ =	sdelay $0x3  }
0xed: {  	s24 =	simm.s32 $0x3200;
	v3 =	vperm.xlane v3, v2  }
0xee: {  	[tilespmem:s24], [sflag:$0x1] =	stream.indirect_vreg.gather [hbm4b:s2+s3], $0x80, v4, vm0, $0xb8;
	[tilespmem:$0x18200] =	vst v63  }
0xef: {  	v3 =	vadd.s32 v1, v3;
	s24 =	simm.s32 $0x3A00  }
0xf0: {  	[tilespmem:s24], [sflag:$0x1] =	stream.indirect_vreg.gather [hbm4b:s5+s3], $0x80, v4, vm0, $0xb8;
	[tilespmem:$0x18200] =	vst v63  }
0xf1: {  	s24 =	simm.s32 $0x4200  }
0xf2: {  	[tilespmem:s24], [sflag:$0x1] =	stream.indirect_vreg.gather [hbm4b:s6+s3], $0x80, v4, vm0, $0xb8;
	[tilespmem:$0x18200] =	vst v63  }
0xf3: {  	s24 =	simm.s32 $0x4A00  }
0xf4: {  	[tilespmem:s24], [sflag:$0x1] =	stream.indirect_vreg.gather [hbm4b:s2+s3], $0x80, v3, vm0, $0xb8;
	[tilespmem:$0x18200] =	vst v63  }
0xf5: {  	s24 =	simm.s32 $0x5200  }
0xf6: {  	[tilespmem:s24], [sflag:$0x1] =	stream.indirect_vreg.gather [hbm4b:s5+s3], $0x80, v3, vm0, $0xb8;
	[tilespmem:$0x18200] =	vst v63  }
0xf7: {  	s24 =	simm.s32 $0x5A00  }
0xf8: {  	[tilespmem:s24], [sflag:$0x1] =	stream.indirect_vreg.gather [hbm4b:s6+s3], $0x80, v3, vm0, $0xb8;
	[tilespmem:$0x18200] =	vst v63  }
0xf9: {  	_ =	swait.ge [sflag:s11], $0x6000  }
0xfa: {  	[sflag:s11] =	ssyncset.done $0x0  }
0xfb: {  	[sflag:s11] =	ssyncadd.s32 $0xFFFFA000  }
0xfc: {  	[hbm4b:s23+s3] =	stream.linear.scatter [tilespmem:s22], [sflag:$0x6], $0x6000, $0x38;
	[tilespmem:$0x18200] =	vst v63  }
0xfd: {  	_ =	swait.ge [sflag:s15], $0x6000  }
0xfe: {  	[sflag:s15] =	ssyncset.done $0x0  }
0xff: {  	[sflag:s15] =	ssyncadd.s32 $0xFFFFA000  }
0x100: {  	v3 =	vld [tilespmem:s18+$0xFFFFFFB0];
	_ =	sdelay $0x4  }
0x101: {  	v62 =	vshrl.u32 v3, $0x3  }
0x102: {  	v4 =	vmul.u32 $0x30, v62  }
0x103: {  	v3 =	vand.u32 $0x7, v3  }
0x104: {  	v3 =	vor.u32 v3, v4  }
0x105: {  	v4 =	vperm.xlane v3, v0;
	_ =	sdelay $0x1  }
0x106: {  	v4 =	vadd.s32 v1, v4;
	_ =	sdelay $0x3  }
0x107: {  	v3 =	vperm.xlane v3, v2  }
0x108: {  	[tilespmem:s22], [sflag:$0x2] =	stream.indirect_vreg.gather [hbm4b:s2+s3], $0x80, v4, vm0, $0xb8;
	[tilespmem:$0x18200] =	vst v63  }
0x109: {  	s23 =	simm.s32 $0x6A00;
	v3 =	vadd.s32 v1, v3  }
0x10a: {  	[tilespmem:s23], [sflag:$0x2] =	stream.indirect_vreg.gather [hbm4b:s5+s3], $0x80, v4, vm0, $0xb8;
	[tilespmem:$0x18200] =	vst v63  }
0x10b: {  	s23 =	simm.s32 $0x7200  }
0x10c: {  	[tilespmem:s23], [sflag:$0x2] =	stream.indirect_vreg.gather [hbm4b:s6+s3], $0x80, v4, vm0, $0xb8;
	[tilespmem:$0x18200] =	vst v63  }
0x10d: {  	s23 =	simm.s32 $0x7A00  }
0x10e: {  	[tilespmem:s23], [sflag:$0x2] =	stream.indirect_vreg.gather [hbm4b:s2+s3], $0x80, v3, vm0, $0xb8;
	[tilespmem:$0x18200] =	vst v63  }
0x10f: {  	s23 =	simm.s32 $0x8200  }
0x110: {  	[tilespmem:s23], [sflag:$0x2] =	stream.indirect_vreg.gather [hbm4b:s5+s3], $0x80, v3, vm0, $0xb8;
	[tilespmem:$0x18200] =	vst v63  }
0x111: {  	s23 =	simm.s32 $0x8A00  }
0x112: {  	[tilespmem:s23], [sflag:$0x2] =	stream.indirect_vreg.gather [hbm4b:s6+s3], $0x80, v3, vm0, $0xb8;
	[tilespmem:$0x18200] =	vst v63  }
0x113: {  	v3 =	vld [tilespmem:s18+$0xFFFFFFC0];
	_ =	sdelay $0x4  }
0x114: {  	v63 =	vshrl.u32 v3, $0x3  }
0x115: {  	v4 =	vmul.u32 $0x30, v63  }
0x116: {  	v3 =	vand.u32 $0x7, v3  }
0x117: {  	v3 =	vor.u32 v3, v4  }
0x118: {  	v4 =	vperm.xlane v3, v0;
	_ =	sdelay $0x1  }
0x119: {  	v4 =	vadd.s32 v1, v4;
	_ =	sdelay $0x3  }
0x11a: {  	s23 =	simm.s32 $0x9200;
	v3 =	vperm.xlane v3, v2  }
0x11b: {  	[tilespmem:s23], [sflag:$0x2] =	stream.indirect_vreg.gather [hbm4b:s2+s3], $0x80, v4, vm0, $0xb8;
	[tilespmem:$0x18200] =	vst v63  }
0x11c: {  	v3 =	vadd.s32 v1, v3;
	s23 =	simm.s32 $0x9A00  }
0x11d: {  	[tilespmem:s23], [sflag:$0x2] =	stream.indirect_vreg.gather [hbm4b:s5+s3], $0x80, v4, vm0, $0xb8;
	[tilespmem:$0x18200] =	vst v63  }
0x11e: {  	s23 =	simm.s32 $0xA200  }
0x11f: {  	[tilespmem:s23], [sflag:$0x2] =	stream.indirect_vreg.gather [hbm4b:s6+s3], $0x80, v4, vm0, $0xb8;
	[tilespmem:$0x18200] =	vst v63  }
0x120: {  	s23 =	simm.s32 $0xAA00  }
0x121: {  	[tilespmem:s23], [sflag:$0x2] =	stream.indirect_vreg.gather [hbm4b:s2+s3], $0x80, v3, vm0, $0xb8;
	[tilespmem:$0x18200] =	vst v63  }
0x122: {  	s23 =	simm.s32 $0xB200  }
0x123: {  	[tilespmem:s23], [sflag:$0x2] =	stream.indirect_vreg.gather [hbm4b:s5+s3], $0x80, v3, vm0, $0xb8;
	[tilespmem:$0x18200] =	vst v63  }
0x124: {  	s24 =	simm.s32 $0xCA00;
	s23 =	simm.s32 $0xBA00  }
0x125: {  	[tilespmem:s23], [sflag:$0x2] =	stream.indirect_vreg.gather [hbm4b:s6+s3], $0x80, v3, vm0, $0xb8;
	[tilespmem:$0x18200] =	vst v63  }
.LBB2_5:
.Ltmp4:
0x126: {  	(pc) =	sbr.rel @p0 .LBB2_7-.Ltmp4, $4  }
0x127: {  	_ =	swait.ge [sflag:s12], $0x6000  }
0x128: {  	[sflag:s12] =	ssyncset.done $0x0  }
0x129: {  	s23 =	sadd.s32 $0x1800, s20;
	s20 =	sadd.s32 $0x2400, s20;
	[sflag:s12] =	ssyncadd.s32 $0xFFFFA000  }
0x12a: {  	[hbm4b:s23+s3] =	stream.linear.scatter [tilespmem:s7], [sflag:$0x7], $0x6000, $0x38;
	[tilespmem:$0x18200] =	vst v63  }
0x12b: {  	_ =	swait.ge [sflag:s16], $0x6000  }
0x12c: {  	[sflag:s16] =	ssyncset.done $0x0  }
0x12d: {  	[sflag:s16] =	ssyncadd.s32 $0xFFFFA000  }
0x12e: {  	v3 =	vld [tilespmem:s18+$0xFFFFFFD0];
	_ =	sdelay $0x4  }
0x12f: {  	v4 =	vshrl.u32 v3, $0x3  }
0x130: {  	v4 =	vmul.u32 $0x30, v4  }
0x131: {  	v3 =	vand.u32 $0x7, v3  }
0x132: {  	v3 =	vor.u32 v3, v4  }
0x133: {  	v4 =	vperm.xlane v3, v0;
	_ =	sdelay $0x1  }
0x134: {  	v4 =	vadd.s32 v1, v4;
	_ =	sdelay $0x3  }
0x135: {  	v3 =	vperm.xlane v3, v2  }
0x136: {  	[tilespmem:s7], [sflag:$0x3] =	stream.indirect_vreg.gather [hbm4b:s2+s3], $0x80, v4, vm0, $0xb8;
	[tilespmem:$0x18200] =	vst v63  }
0x137: {  	v3 =	vadd.s32 v1, v3  }
0x138: {  	[tilespmem:s24], [sflag:$0x3] =	stream.indirect_vreg.gather [hbm4b:s5+s3], $0x80, v4, vm0, $0xb8;
	[tilespmem:$0x18200] =	vst v63  }
0x139: {  	s23 =	simm.s32 $0xD200  }
0x13a: {  	[tilespmem:s23], [sflag:$0x3] =	stream.indirect_vreg.gather [hbm4b:s6+s3], $0x80, v4, vm0, $0xb8;
	[tilespmem:$0x18200] =	vst v63  }
0x13b: {  	s23 =	simm.s32 $0xDA00  }
0x13c: {  	[tilespmem:s23], [sflag:$0x3] =	stream.indirect_vreg.gather [hbm4b:s2+s3], $0x80, v3, vm0, $0xb8;
	[tilespmem:$0x18200] =	vst v63  }
0x13d: {  	s23 =	simm.s32 $0xE200  }
0x13e: {  	[tilespmem:s23], [sflag:$0x3] =	stream.indirect_vreg.gather [hbm4b:s5+s3], $0x80, v3, vm0, $0xb8;
	[tilespmem:$0x18200] =	vst v63  }
0x13f: {  	s23 =	simm.s32 $0xEA00  }
0x140: {  	[tilespmem:s23], [sflag:$0x3] =	stream.indirect_vreg.gather [hbm4b:s6+s3], $0x80, v3, vm0, $0xb8;
	[tilespmem:$0x18200] =	vst v63  }
0x141: {  	v3 =	vld [tilespmem:s18+$0xFFFFFFE0];
	_ =	sdelay $0x4  }
0x142: {  	v61 =	vshrl.u32 v3, $0x3  }
0x143: {  	v4 =	vmul.u32 $0x30, v61  }
0x144: {  	v3 =	vand.u32 $0x7, v3  }
0x145: {  	v3 =	vor.u32 v3, v4  }
0x146: {  	v4 =	vperm.xlane v3, v0;
	_ =	sdelay $0x1  }
0x147: {  	v4 =	vadd.s32 v1, v4;
	_ =	sdelay $0x3  }
0x148: {  	s23 =	simm.s32 $0xF200;
	v3 =	vperm.xlane v3, v2  }
0x149: {  	[tilespmem:s23], [sflag:$0x3] =	stream.indirect_vreg.gather [hbm4b:s2+s3], $0x80, v4, vm0, $0xb8;
	[tilespmem:$0x18200] =	vst v63  }
0x14a: {  	v3 =	vadd.s32 v1, v3;
	s23 =	simm.s32 $0xFA00  }
0x14b: {  	[tilespmem:s23], [sflag:$0x3] =	stream.indirect_vreg.gather [hbm4b:s5+s3], $0x80, v4, vm0, $0xb8;
	[tilespmem:$0x18200] =	vst v63  }
0x14c: {  	s23 =	simm.s32 $0x10200  }
0x14d: {  	[tilespmem:s23], [sflag:$0x3] =	stream.indirect_vreg.gather [hbm4b:s6+s3], $0x80, v4, vm0, $0xb8;
	[tilespmem:$0x18200] =	vst v63  }
0x14e: {  	s23 =	simm.s32 $0x10A00  }
0x14f: {  	[tilespmem:s23], [sflag:$0x3] =	stream.indirect_vreg.gather [hbm4b:s2+s3], $0x80, v3, vm0, $0xb8;
	[tilespmem:$0x18200] =	vst v63  }
0x150: {  	s23 =	simm.s32 $0x11200  }
0x151: {  	[tilespmem:s23], [sflag:$0x3] =	stream.indirect_vreg.gather [hbm4b:s5+s3], $0x80, v3, vm0, $0xb8;
	[tilespmem:$0x18200] =	vst v63  }
0x152: {  	s23 =	simm.s32 $0x11A00  }
0x153: {  	[tilespmem:s23], [sflag:$0x3] =	stream.indirect_vreg.gather [hbm4b:s6+s3], $0x80, v3, vm0, $0xb8;
	[tilespmem:$0x18200] =	vst v63  }
0x154: {  	_ =	swait.ge [sflag:s13], $0x6000  }
0x155: {  	[sflag:s13] =	ssyncset.done $0x0  }
0x156: {  	[sflag:s13] =	ssyncadd.s32 $0xFFFFA000  }
0x157: {  	[hbm4b:s20+s3] =	stream.linear.scatter [tilespmem:s21], [sflag:$0x8], $0x6000, $0x38;
	[tilespmem:$0x18200] =	vst v63  }
0x158: {  	_ =	swait.ge [sflag:s17], $0x6000  }
0x159: {  	[sflag:s17] =	ssyncset.done $0x0  }
0x15a: {  	[sflag:s17] =	ssyncadd.s32 $0xFFFFA000  }
0x15b: {  	v3 =	vld [tilespmem:s18+$0xFFFFFFF0];
	_ =	sdelay $0x4  }
0x15c: {  	v62 =	vshrl.u32 v3, $0x3  }
0x15d: {  	v4 =	vmul.u32 $0x30, v62  }
0x15e: {  	v3 =	vand.u32 $0x7, v3  }
0x15f: {  	v3 =	vor.u32 v3, v4  }
0x160: {  	v4 =	vperm.xlane v3, v0;
	_ =	sdelay $0x1  }
0x161: {  	v4 =	vadd.s32 v1, v4;
	_ =	sdelay $0x3  }
0x162: {  	v3 =	vperm.xlane v3, v2  }
0x163: {  	[tilespmem:s21], [sflag:$0x4] =	stream.indirect_vreg.gather [hbm4b:s2+s3], $0x80, v4, vm0, $0xb8;
	[tilespmem:$0x18200] =	vst v63  }
0x164: {  	s23 =	simm.s32 $0x12A00;
	v3 =	vadd.s32 v1, v3  }
0x165: {  	[tilespmem:s23], [sflag:$0x4] =	stream.indirect_vreg.gather [hbm4b:s5+s3], $0x80, v4, vm0, $0xb8;
	[tilespmem:$0x18200] =	vst v63  }
0x166: {  	s23 =	simm.s32 $0x13200  }
0x167: {  	[tilespmem:s23], [sflag:$0x4] =	stream.indirect_vreg.gather [hbm4b:s6+s3], $0x80, v4, vm0, $0xb8;
	[tilespmem:$0x18200] =	vst v63  }
0x168: {  	_ = 	snop  }
0x169: {  	[tilespmem:s25], [sflag:$0x4] =	stream.indirect_vreg.gather [hbm4b:s2+s3], $0x80, v3, vm0, $0xb8;
	[tilespmem:$0x18200] =	vst v63  }
0x16a: {  	_ = 	snop  }
0x16b: {  	[tilespmem:s26], [sflag:$0x4] =	stream.indirect_vreg.gather [hbm4b:s5+s3], $0x80, v3, vm0, $0xb8;
	[tilespmem:$0x18200] =	vst v63  }
0x16c: {  	_ = 	snop  }
0x16d: {  	[tilespmem:s28], [sflag:$0x4] =	stream.indirect_vreg.gather [hbm4b:s6+s3], $0x80, v3, vm0, $0xb8;
	[tilespmem:$0x18200] =	vst v63  }
0x16e: {  	v3 =	vld [tilespmem:s18+$0x0];
	_ =	sdelay $0x4  }
0x16f: {  	v63 =	vshrl.u32 v3, $0x3  }
0x170: {  	v4 =	vmul.u32 $0x30, v63  }
0x171: {  	v3 =	vand.u32 $0x7, v3  }
0x172: {  	v3 =	vor.u32 v3, v4  }
0x173: {  	v4 =	vperm.xlane v3, v0;
	_ =	sdelay $0x1  }
0x174: {  	v4 =	vadd.s32 v1, v4;
	_ =	sdelay $0x3  }
0x175: {  	v3 =	vperm.xlane v3, v2  }
0x176: {  	[tilespmem:s29], [sflag:$0x4] =	stream.indirect_vreg.gather [hbm4b:s2+s3], $0x80, v4, vm0, $0xb8;
	[tilespmem:$0x18200] =	vst v63  }
0x177: {  	v3 =	vadd.s32 v1, v3  }
0x178: {  	[tilespmem:s30], [sflag:$0x4] =	stream.indirect_vreg.gather [hbm4b:s5+s3], $0x80, v4, vm0, $0xb8;
	[tilespmem:$0x18200] =	vst v63  }
0x179: {  	_ = 	snop  }
0x17a: {  	[tilespmem:s31], [sflag:$0x4] =	stream.indirect_vreg.gather [hbm4b:s6+s3], $0x80, v4, vm0, $0xb8;
	[tilespmem:$0x18200] =	vst v63  }
0x17b: {  	_ = 	snop  }
0x17c: {  	[tilespmem:s0], [sflag:$0x4] =	stream.indirect_vreg.gather [hbm4b:s2+s3], $0x80, v3, vm0, $0xb8;
	[tilespmem:$0x18200] =	vst v63  }
.Ltmp5:
0x17d: {  	_ = 	snop;
	(pc) =	sbr.rel .LBB2_2-.Ltmp5, $4  }
0x17e: {  	_ = 	snop  }
0x17f: {  	[tilespmem:s1], [sflag:$0x4] =	stream.indirect_vreg.gather [hbm4b:s5+s3], $0x80, v3, vm0, $0xb8;
	[tilespmem:$0x18200] =	vst v63  }
0x180: {  	s19 =	sadd.s32 $0x3000, s19;
	s18 =	sadd.s32 $0x80, s18  }
0x181: {  	[tilespmem:s4], [sflag:$0x4] =	stream.indirect_vreg.gather [hbm4b:s6+s3], $0x80, v3, vm0, $0xb8;
	[tilespmem:$0x18200] =	vst v63  }
.LBB2_8:
0x182: {  	_ =	sfence.sel $0x180000  }
0x183: {  	[bflag:$0x0] =	sbarrier.arrive $0xFFFF  }
0x184: {  	_ =	strace $0x90000047  }
0x185: {  	s0 =	stileid.u32;
	[bflag:$0x2] =	sbarrier.arrive $0xFFFF  }
0x186: {  	p0 =	sne.s32 s0, $0x0;
	s0 =	rddreg [dreg:$0x3]  }
0x187: {  	s0 =	sadd.s32 @!p0 $0x100000, s0  }
0x188: {  	[sflag:s0] =	ssyncadd.tile.s32 @!p0 $0x1;
	_ =	shalt  }
.Lfunc_end2:
_tile_overlayer_lowered:
.L_overlay_start_2:
0x189: {  	(tag) =	ssettag $0x2  }
0x18a: {  	s0 =	rddreg [dreg:$0x0];
	s2 =	stileid.u32  }
0x18b: {  	s1 =	rddreg [dreg:$0x1];
	p0 =	sne.s32 s2, $0x0  }
0x18c: {  	s3 =	rddreg [dreg:$0x2];
	[bflag:$0x3] =	sbarrier.arrive $0xFFFF;
	s2 =	simm.s32 @!p0 $0x1C09  }
0x18d: {  	[timem:s3], [sflag:s2] =	dma.local @!p0 [hbm:s0], s1  }
0x18e: {  	s0 =	simm.s32 @!p0 $0x9  }
0x18f: {  	_ =	swait.ge @!p0 [sflag:s0], s1  }
0x190: {  	s1 =	ssub.s32 @!p0 $0x0, s1;
	[sflag:s0] =	ssyncset.done @!p0 $0x0  }
0x191: {  	[sflag:s0] =	ssyncadd.s32 @!p0 s1  }
0x192: {  	[bflag:$0x3] =	sbarrier.arrive $0xFFFF  }
0x193: {  	_ =	shalt  }

</sc_bundles>
